<compile_context>
chip_gen: v7x
topology: tpu7x:2x2x1
jax: 0.10.2.dev20260603
libtpu: 0.0.44.dev20260713+nightly
codegen_flags: <defaults>
</compile_context>

<pallas_src>
import jax
import jax.numpy as jnp
from jax import lax
from jax.experimental import pallas as pl
from jax.experimental.pallas import tpu as pltpu
from jax.experimental.pallas import tpu_sc as plsc

ALPHA = 0.2
ACT_DIM = 100000
BATCH = 128
MASK_LEN = 5000

NC = 2
NS = 16
NW = NC * NS

MTILE = 128
NTILE = 40
MPAD = NTILE * MTILE
FTILES_PER_W = 2

KSTEP = 512

_K0 = 0
_K1 = 42


def _sc_mesh():
    return plsc.VectorSubcoreMesh(core_axis_name="c", subcore_axis_name="s",
                                  num_cores=NC, num_subcores=NS)




def _sc_gather_body(qt_hbm, idx_hbm, qgt_hbm, ftbl_hbm,
                    idx_v, idxc_v, kval_v, dst_v, sem, sem2):
    wid = lax.axis_index("s") * NC + lax.axis_index("c")

    for t in range(FTILES_PER_W):
        j = wid + t * NW

        @pl.when(j < NTILE)
        def _fire():
            pltpu.sync_copy(idx_hbm.at[j], idx_v.at[t])
            for u in range(MTILE // 16):
                sl = pl.ds(u * 16, 16)
                idxc_v[t, sl] = jnp.minimum(idx_v[t, sl], ACT_DIM - 1)
                kval_v[t, sl] = lax.iota(jnp.int32, 16) + (j * MTILE + u * 16)
            pltpu.async_copy(qt_hbm.at[idxc_v.at[t]], dst_v.at[t], sem)
            pltpu.async_copy(kval_v.at[t], ftbl_hbm.at[idx_v.at[t]], sem2)

    for t in range(FTILES_PER_W):
        j = wid + t * NW

        @pl.when(j < NTILE)
        def _drain():
            pltpu.make_async_copy(qt_hbm.at[idxc_v.at[t]], dst_v.at[t],
                                  sem).wait()
            pltpu.sync_copy(dst_v.at[t], qgt_hbm.at[pl.ds(j * MTILE, MTILE)])
            pltpu.make_async_copy(kval_v.at[t], ftbl_hbm.at[idx_v.at[t]],
                                  sem2).wait()


def _sc_gather(qt, idx2):
    f = pl.kernel(
        _sc_gather_body,
        out_type=[
            jax.ShapeDtypeStruct((MPAD, BATCH), jnp.float32),
            jax.ShapeDtypeStruct((ACT_DIM + 8,), jnp.int32),
        ],
        mesh=_sc_mesh(),
        scratch_types=[
            pltpu.VMEM((FTILES_PER_W, MTILE), jnp.int32),
            pltpu.VMEM((FTILES_PER_W, MTILE), jnp.int32),
            pltpu.VMEM((FTILES_PER_W, MTILE), jnp.int32),
            pltpu.VMEM((FTILES_PER_W, MTILE, BATCH), jnp.float32),
            pltpu.SemaphoreType.DMA,
            pltpu.SemaphoreType.DMA,
        ],
    )
    return f(qt, idx2)




def _sc_flags_body(ftbl_hbm, idx_hbm, flg_hbm, idx_v, fl_v, sem):
    wid = lax.axis_index("s") * NC + lax.axis_index("c")
    for t in range(FTILES_PER_W):
        j = wid + t * NW

        @pl.when(j < NTILE)
        def _gb():
            pltpu.sync_copy(idx_hbm.at[j], idx_v.at[t])
            pltpu.async_copy(ftbl_hbm.at[idx_v.at[t]], fl_v.at[t], sem)

    for t in range(FTILES_PER_W):
        j = wid + t * NW

        @pl.when(j < NTILE)
        def _drain():
            pltpu.make_async_copy(ftbl_hbm.at[idx_v.at[t]], fl_v.at[t],
                                  sem).wait()
            pltpu.sync_copy(fl_v.at[t], flg_hbm.at[j])


def _sc_flags(ftbl, idx2):
    f = pl.kernel(
        _sc_flags_body,
        out_type=jax.ShapeDtypeStruct((NTILE, MTILE), jnp.int32),
        mesh=_sc_mesh(),
        scratch_types=[
            pltpu.VMEM((FTILES_PER_W, MTILE), jnp.int32),
            pltpu.VMEM((FTILES_PER_W, MTILE), jnp.int32),
            pltpu.SemaphoreType.DMA,
        ],
    )
    return f(ftbl, idx2)




def _rotl(x, r):
    return lax.shift_left(x, jnp.uint32(r)) | lax.shift_right_logical(
        x, jnp.uint32(32 - r))


def _threefry_bits(p):
    ks0 = jnp.uint32(_K0)
    ks1 = jnp.uint32(_K1)
    ks2 = ks0 ^ ks1 ^ jnp.uint32(0x1BD11BDA)
    rot1 = (13, 15, 26, 6)
    rot2 = (17, 29, 16, 24)
    x0 = jnp.zeros_like(p) + ks0
    x1 = p + ks1

    def rnds(x0, x1, rots):
        for r in rots:
            x0 = x0 + x1
            x1 = _rotl(x1, r)
            x1 = x1 ^ x0
        return x0, x1

    x0, x1 = rnds(x0, x1, rot1)
    x0 = x0 + ks1
    x1 = x1 + ks2 + jnp.uint32(1)
    x0, x1 = rnds(x0, x1, rot2)
    x0 = x0 + ks2
    x1 = x1 + ks0 + jnp.uint32(2)
    x0, x1 = rnds(x0, x1, rot1)
    x0 = x0 + ks0
    x1 = x1 + ks1 + jnp.uint32(3)
    x0, x1 = rnds(x0, x1, rot2)
    x0 = x0 + ks1
    x1 = x1 + ks2 + jnp.uint32(4)
    x0, x1 = rnds(x0, x1, rot1)
    x0 = x0 + ks2
    x1 = x1 + ks0 + jnp.uint32(5)
    return x0 ^ x1


def _gumbel_from_bits(bits):
    float_bits = lax.shift_right_logical(bits, jnp.uint32(9)) | jnp.uint32(
        0x3F800000)
    floats = lax.bitcast_convert_type(float_bits, jnp.float32) - jnp.float32(1.0)
    tiny = jnp.float32(jnp.finfo(jnp.float32).tiny)
    u = lax.max(tiny, floats * (jnp.float32(1.0) - tiny) + tiny)
    return -jnp.log(-jnp.log(u))


def _noise_body(idx_ref, g_ref):
    idx = idx_ref[...]
    row = lax.broadcasted_iota(jnp.int32, (KSTEP, BATCH), 1)
    p = (row * ACT_DIM + idx).astype(jnp.uint32)
    g_ref[...] = _gumbel_from_bits(_threefry_bits(p))


def _noise(idxc):
    grid = (MPAD // KSTEP,)
    return pl.pallas_call(
        _noise_body,
        grid=grid,
        in_specs=[pl.BlockSpec((KSTEP, 1), lambda i: (i, 0))],
        out_specs=pl.BlockSpec((KSTEP, BATCH), lambda i: (i, 0)),
        out_shape=jax.ShapeDtypeStruct((MPAD, BATCH), jnp.float32),
    )(idxc)




def _select_body(qgt_ref, g_ref, idx_ref, flg_ref, act_ref, logp_ref):
    qgt = qgt_ref[...]
    g = g_ref[...]
    idx = idx_ref[...]
    flg = flg_ref[...]

    kio = lax.broadcasted_iota(jnp.int32, (MPAD, 1), 0)
    valid = (kio < MASK_LEN) & (flg == kio)

    qs = qgt * jnp.float32(1.0 / ALPHA)
    neg = jnp.float32(-jnp.inf)
    qs_v = jnp.where(valid, qs, neg)

    m = jnp.max(qs_v, axis=0, keepdims=True)
    e = jnp.exp(qs_v - m)
    s = jnp.sum(jnp.where(valid, e, jnp.float32(0.0)), axis=0, keepdims=True)

    z = jnp.where(valid, qs + g, neg)
    zmax = jnp.max(z, axis=0, keepdims=True)
    big = jnp.int32(2**30)
    kstar = jnp.min(jnp.where(z >= zmax, kio, big), axis=0, keepdims=True)

    hit = kio == kstar
    act = jnp.max(jnp.where(hit, idx, jnp.int32(0)), axis=0, keepdims=True)
    esel = jnp.max(jnp.where(hit, e, jnp.float32(0.0)), axis=0, keepdims=True)

    act_ref[...] = act
    logp_ref[...] = esel / s


def _select(qgt, g, idxc, flags):
    return pl.pallas_call(
        _select_body,
        out_shape=[
            jax.ShapeDtypeStruct((1, BATCH), jnp.int32),
            jax.ShapeDtypeStruct((1, BATCH), jnp.float32),
        ],
    )(qgt, g, idxc, flags)


def kernel(q, action_mask):
    idx = action_mask.astype(jnp.int32)
    idxp = jnp.concatenate(
        [idx, jnp.full((MPAD - MASK_LEN,), ACT_DIM, jnp.int32)])
    idx2 = idxp.reshape(NTILE, MTILE)
    qt = q.T

    g = _noise(idxp[:, None])
    qgt, ftbl = _sc_gather(qt, idx2)
    flg = _sc_flags(ftbl, idx2)

    act, logp = _select(qgt, g, idxp[:, None], flg.reshape(MPAD, 1))
    return act.reshape(BATCH, 1), logp.reshape(BATCH, 1)

# --- scband reference (transcript-rebuilt; emitter-appended) ---
"""Pipeline reference for scband-mlpaction-selector-72584947303029 (READ-ONLY COPY).

The authoritative reference and input builder live on the scoring server;
editing this copy changes nothing except your own understanding.
"""

import jax, jax.numpy as jnp
import numpy as np

ALPHA = 0.2
ACT_DIM = 100000
BATCH = 128
MASK_LEN = 5000


def setup_inputs(seed: int = 0) -> dict:
    key = jax.random.key(seed)
    k1, k2 = jax.random.split(key)
    q = jax.random.normal(k1, (BATCH, ACT_DIM), dtype=jnp.float32)
    action_mask = jax.random.randint(k2, (MASK_LEN,), 0, ACT_DIM).astype(jnp.int64)
    return {"q": q, "action_mask": action_mask}


def reference(q, action_mask):
    # q_soft = q / alpha
    q_soft = q / ALPHA
    # mask = np.ones(act_dim, bool); mask[action_mask] = False  -> True means invalid
    mask = jnp.ones((ACT_DIM,), dtype=bool).at[action_mask].set(False)
    # q_soft[:, mask] = -inf
    q_soft = jnp.where(mask[None, :], -jnp.inf, q_soft)
    # pi_log = softmax(q_soft, dim=1)  (note: these are probabilities)
    pi_log = jax.nn.softmax(q_soft, axis=1)
    # stochastic branch: pi_action = torch.multinomial(pi_log, 1)
    # sampling from probs pi_log == categorical over masked logits q_soft
    skey = jax.random.key(42)
    pi_action = jax.random.categorical(skey, q_soft, axis=1)[:, None].astype(jnp.int32)
    # logp_pi = torch.gather(pi_log, 1, pi_action)
    logp_pi = jnp.take_along_axis(pi_log, pi_action, axis=1)
    return (pi_action, logp_pi)

if __name__ == "__main__":
    import jax
    _d = setup_inputs()
    print(jax.jit(kernel)(*tuple(_d.values())))

</pallas_src>

<mosaic_0001>
#map = affine_map<(d0, d1) -> (0, 0)>
#map1 = affine_map<(d0, d1) -> (0)>
module attributes {stable_mosaic.version = 14 : i64} {
  func.func @_sc_gather_body(%arg0: i32, %arg1: i32, %arg2: memref<100000x128xf32, #tpu.memory_space<hbm>>, %arg3: memref<40x128xi32, #tpu.memory_space<hbm>>, %arg4: memref<5120x128xf32, #tpu.memory_space<hbm>>, %arg5: memref<100008xi32, #tpu.memory_space<hbm>>, %arg6: memref<2x128xi32, #tpu.memory_space<vmem>>, %arg7: memref<2x128xi32, #tpu.memory_space<vmem>>, %arg8: memref<2x128xi32, #tpu.memory_space<vmem>>, %arg9: memref<2x128x128xf32, #tpu.memory_space<vmem>>, %arg10: memref<!tpu.dma_semaphore, #tpu.memory_space<semaphore_mem>>, %arg11: memref<!tpu.dma_semaphore, #tpu.memory_space<semaphore_mem>>) attributes {dimension_semantics = [#tpu.dimension_semantics<core_parallel>, #tpu.dimension_semantics<subcore_parallel>], iteration_bounds = array<i64: 2, 16>, scalar_prefetch = 0 : i64, scratch_operands = 6 : i64, tpu.core_type = #tpu.core_type<sc_vector_subcore>, window_params = [{transform_indices = #map}, {transform_indices = #map}, {transform_indices = #map}, {transform_indices = #map1}]} {
    %mul3A = arith.constant 2 : i32
    %mul3A_0 = arith.muli %arg1, %mul3A : i32
    %add3A = arith.addi %mul3A_0, %arg0 : i32
    %add3A_1 = arith.constant 0 : i32
    %add3A_2 = arith.addi %add3A, %add3A_1 : i32
    %lt3A = arith.constant 40 : i32
    %lt3A_3 = arith.cmpi slt, %add3A_2, %lt3A : i32
    %convert_element_type3A = arith.extui %lt3A_3 : i1 to i32
    %cond3A = arith.constant 0 : i32
    %cond3A_4 = arith.cmpi ne, %convert_element_type3A, %cond3A : i32
    scf.if %cond3A_4 {
      %run_scoped3A = arith.constant 0 : i32
      "tpu.region"() ({
        %run_scoped3A_259 = tpu.sem_alloc : memref<!tpu.dma_semaphore, #tpu.memory_space<semaphore_mem>>
        %dma_start3A_260 = arith.constant 0 : i32
        %dma_start3A_261 = tpu.memref_slice %arg6[%run_scoped3A, %dma_start3A_260] : memref<2x128xi32, #tpu.memory_space<vmem>> -> memref<1x128xi32, #tpu.memory_space<vmem>>
        %dma_start3A_262 = tpu.memref_squeeze %dma_start3A_261 : memref<1x128xi32, #tpu.memory_space<vmem>> -> memref<128xi32, #tpu.memory_space<vmem>>
        %dma_start3A_263 = arith.constant 0 : i32
        %dma_start3A_264 = tpu.memref_slice %arg3[%add3A_2, %dma_start3A_263] : memref<40x128xi32, #tpu.memory_space<hbm>> -> memref<1x128xi32, #tpu.memory_space<hbm>>
        %dma_start3A_265 = tpu.memref_squeeze %dma_start3A_264 : memref<1x128xi32, #tpu.memory_space<hbm>> -> memref<128xi32, #tpu.memory_space<hbm>>
        %dma_start3A_266 = arith.constant 0 : i32
        %dma_start3A_267 = tpu.memref_slice %arg6[%run_scoped3A, %dma_start3A_266] : memref<2x128xi32, #tpu.memory_space<vmem>> -> memref<1x128xi32, #tpu.memory_space<vmem>>
        %dma_start3A_268 = tpu.memref_squeeze %dma_start3A_267 : memref<1x128xi32, #tpu.memory_space<vmem>> -> memref<128xi32, #tpu.memory_space<vmem>>
        %dma_start3A_269 = arith.constant 0 : i32
        %dma_start3A_270 = tpu.memref_slice %arg3[%add3A_2, %dma_start3A_269] : memref<40x128xi32, #tpu.memory_space<hbm>> -> memref<1x128xi32, #tpu.memory_space<hbm>>
        %dma_start3A_271 = tpu.memref_squeeze %dma_start3A_270 : memref<1x128xi32, #tpu.memory_space<hbm>> -> memref<128xi32, #tpu.memory_space<hbm>>
        tpu.enqueue_dma source(%dma_start3A_271 : memref<128xi32, #tpu.memory_space<hbm>>) target(%dma_start3A_268 : memref<128xi32, #tpu.memory_space<vmem>>) target_semaphore(%run_scoped3A_259 : memref<!tpu.dma_semaphore, #tpu.memory_space<semaphore_mem>>)
        %dma_wait3A = arith.constant 0 : i32
        %dma_wait3A_272 = tpu.memref_slice %arg6[%run_scoped3A, %dma_wait3A] : memref<2x128xi32, #tpu.memory_space<vmem>> -> memref<1x128xi32, #tpu.memory_space<vmem>>
        %dma_wait3A_273 = tpu.memref_squeeze %dma_wait3A_272 : memref<1x128xi32, #tpu.memory_space<vmem>> -> memref<128xi32, #tpu.memory_space<vmem>>
        %dma_wait3A_274 = arith.constant 0 : i32
        %dma_wait3A_275 = tpu.memref_slice %arg3[%add3A_2, %dma_wait3A_274] : memref<40x128xi32, #tpu.memory_space<hbm>> -> memref<1x128xi32, #tpu.memory_space<hbm>>
        %dma_wait3A_276 = tpu.memref_squeeze %dma_wait3A_275 : memref<1x128xi32, #tpu.memory_space<hbm>> -> memref<128xi32, #tpu.memory_space<hbm>>
        %dma_wait3A_277 = arith.constant 0 : i32
        %dma_wait3A_278 = tpu.memref_slice %arg6[%run_scoped3A, %dma_wait3A_277] : memref<2x128xi32, #tpu.memory_space<vmem>> -> memref<1x128xi32, #tpu.memory_space<vmem>>
        %dma_wait3A_279 = tpu.memref_squeeze %dma_wait3A_278 : memref<1x128xi32, #tpu.memory_space<vmem>> -> memref<128xi32, #tpu.memory_space<vmem>>
        %dma_wait3A_280 = arith.constant 0 : i32
        %dma_wait3A_281 = tpu.memref_slice %arg3[%add3A_2, %dma_wait3A_280] : memref<40x128xi32, #tpu.memory_space<hbm>> -> memref<1x128xi32, #tpu.memory_space<hbm>>
        %dma_wait3A_282 = tpu.memref_squeeze %dma_wait3A_281 : memref<1x128xi32, #tpu.memory_space<hbm>> -> memref<128xi32, #tpu.memory_space<hbm>>
        tpu.wait_dma2 semaphore(%run_scoped3A_259 : memref<!tpu.dma_semaphore, #tpu.memory_space<semaphore_mem>>) src(%dma_wait3A_282 : memref<128xi32, #tpu.memory_space<hbm>>) dst(%dma_wait3A_279 : memref<128xi32, #tpu.memory_space<vmem>>)
        tpu.yield
      }) : () -> ()
      %get3A = arith.constant 0 : i32
      %get3A_26 = arith.index_cast %get3A : i32 to index
      %get3A_27 = arith.constant 0 : index
      %get3A_28 = tpu.vector_load %arg6[%get3A_26, %get3A_27] {strides = array<i32>} : memref<2x128xi32, #tpu.memory_space<vmem>>, vector<1x16xi32>,
      %get3A_29 = vector.shape_cast %get3A_28 : vector<1x16xi32> to vector<16xi32>
      %min3A = arith.constant 99999 : i32
      %min3A_30 = vector.broadcast %min3A : i32 to vector<16xi32>
      %min3A_31 = arith.minsi %get3A_29, %min3A_30 : vector<16xi32>
      %swap3A = arith.constant 0 : i32
      %swap3A_32 = arith.index_cast %swap3A : i32 to index
      %swap3A_33 = arith.constant 0 : index
      %swap3A_34 = tpu.vector_load %arg7[%swap3A_32, %swap3A_33] {strides = array<i32>} : memref<2x128xi32, #tpu.memory_space<vmem>>, vector<1x16xi32>,
      %swap3A_35 = vector.shape_cast %swap3A_34 : vector<1x16xi32> to vector<16xi32>
      %swap3A_36 = vector.shape_cast %min3A_31 : vector<16xi32> to vector<1x16xi32>
      tpu.vector_store %arg7[%swap3A_32, %swap3A_33], %swap3A_36 {strides = array<i32>} : memref<2x128xi32, #tpu.memory_space<vmem>>, vector<1x16xi32>,
      %iota3A = tpu.iota {dimensions = array<i32: 0>} : vector<16xi32>
      %mul3A_37 = arith.constant 128 : i32
      %mul3A_38 = arith.muli %add3A_2, %mul3A_37 : i32
      %add3A_39 = arith.constant 0 : i32
      %add3A_40 = arith.addi %mul3A_38, %add3A_39 : i32
      %add3A_41 = vector.broadcast %add3A_40 : i32 to vector<16xi32>
      %add3A_42 = arith.addi %iota3A, %add3A_41 : vector<16xi32>
      %swap3A_43 = arith.constant 0 : i32
      %swap3A_44 = arith.index_cast %swap3A_43 : i32 to index
      %swap3A_45 = arith.constant 0 : index
      %swap3A_46 = tpu.vector_load %arg8[%swap3A_44, %swap3A_45] {strides = array<i32>} : memref<2x128xi32, #tpu.memory_space<vmem>>, vector<1x16xi32>,
      %swap3A_47 = vector.shape_cast %swap3A_46 : vector<1x16xi32> to vector<16xi32>
      %swap3A_48 = vector.shape_cast %add3A_42 : vector<16xi32> to vector<1x16xi32>
      tpu.vector_store %arg8[%swap3A_44, %swap3A_45], %swap3A_48 {strides = array<i32>} : memref<2x128xi32, #tpu.memory_space<vmem>>, vector<1x16xi32>,
      %get3A_49 = arith.constant 0 : i32
      %get3A_50 = arith.index_cast %get3A_49 : i32 to index
      %get3A_51 = arith.constant 16 : index
      %get3A_52 = tpu.vector_load %arg6[%get3A_50, %get3A_51] {strides = array<i32>} : memref<2x128xi32, #tpu.memory_space<vmem>>, vector<1x16xi32>,
      %get3A_53 = vector.shape_cast %get3A_52 : vector<1x16xi32> to vector<16xi32>
      %min3A_54 = arith.constant 99999 : i32
      %min3A_55 = vector.broadcast %min3A_54 : i32 to vector<16xi32>
      %min3A_56 = arith.minsi %get3A_53, %min3A_55 : vector<16xi32>
      %swap3A_57 = arith.constant 0 : i32
      %swap3A_58 = arith.index_cast %swap3A_57 : i32 to index
      %swap3A_59 = arith.constant 16 : index
      %swap3A_60 = tpu.vector_load %arg7[%swap3A_58, %swap3A_59] {strides = array<i32>} : memref<2x128xi32, #tpu.memory_space<vmem>>, vector<1x16xi32>,
      %swap3A_61 = vector.shape_cast %swap3A_60 : vector<1x16xi32> to vector<16xi32>
      %swap3A_62 = vector.shape_cast %min3A_56 : vector<16xi32> to vector<1x16xi32>
      tpu.vector_store %arg7[%swap3A_58, %swap3A_59], %swap3A_62 {strides = array<i32>} : memref<2x128xi32, #tpu.memory_space<vmem>>, vector<1x16xi32>,
      %iota3A_63 = tpu.iota {dimensions = array<i32: 0>} : vector<16xi32>
      %mul3A_64 = arith.constant 128 : i32
      %mul3A_65 = arith.muli %add3A_2, %mul3A_64 : i32
      %add3A_66 = arith.constant 16 : i32
      %add3A_67 = arith.addi %mul3A_65, %add3A_66 : i32
      %add3A_68 = vector.broadcast %add3A_67 : i32 to vector<16xi32>
      %add3A_69 = arith.addi %iota3A_63, %add3A_68 : vector<16xi32>
      %swap3A_70 = arith.constant 0 : i32
      %swap3A_71 = arith.index_cast %swap3A_70 : i32 to index
      %swap3A_72 = arith.constant 16 : index
      %swap3A_73 = tpu.vector_load %arg8[%swap3A_71, %swap3A_72] {strides = array<i32>} : memref<2x128xi32, #tpu.memory_space<vmem>>, vector<1x16xi32>,
      %swap3A_74 = vector.shape_cast %swap3A_73 : vector<1x16xi32> to vector<16xi32>
      %swap3A_75 = vector.shape_cast %add3A_69 : vector<16xi32> to vector<1x16xi32>
      tpu.vector_store %arg8[%swap3A_71, %swap3A_72], %swap3A_75 {strides = array<i32>} : memref<2x128xi32, #tpu.memory_space<vmem>>, vector<1x16xi32>,
      %get3A_76 = arith.constant 0 : i32
      %get3A_77 = arith.index_cast %get3A_76 : i32 to index
      %get3A_78 = arith.constant 32 : index
      %get3A_79 = tpu.vector_load %arg6[%get3A_77, %get3A_78] {strides = array<i32>} : memref<2x128xi32, #tpu.memory_space<vmem>>, vector<1x16xi32>,
      %get3A_80 = vector.shape_cast %get3A_79 : vector<1x16xi32> to vector<16xi32>
      %min3A_81 = arith.constant 99999 : i32
      %min3A_82 = vector.broadcast %min3A_81 : i32 to vector<16xi32>
      %min3A_83 = arith.minsi %get3A_80, %min3A_82 : vector<16xi32>
      %swap3A_84 = arith.constant 0 : i32
      %swap3A_85 = arith.index_cast %swap3A_84 : i32 to index
      %swap3A_86 = arith.constant 32 : index
      %swap3A_87 = tpu.vector_load %arg7[%swap3A_85, %swap3A_86] {strides = array<i32>} : memref<2x128xi32, #tpu.memory_space<vmem>>, vector<1x16xi32>,
      %swap3A_88 = vector.shape_cast %swap3A_87 : vector<1x16xi32> to vector<16xi32>
      %swap3A_89 = vector.shape_cast %min3A_83 : vector<16xi32> to vector<1x16xi32>
      tpu.vector_store %arg7[%swap3A_85, %swap3A_86], %swap3A_89 {strides = array<i32>} : memref<2x128xi32, #tpu.memory_space<vmem>>, vector<1x16xi32>,
      %iota3A_90 = tpu.iota {dimensions = array<i32: 0>} : vector<16xi32>
      %mul3A_91 = arith.constant 128 : i32
      %mul3A_92 = arith.muli %add3A_2, %mul3A_91 : i32
      %add3A_93 = arith.constant 32 : i32
      %add3A_94 = arith.addi %mul3A_92, %add3A_93 : i32
      %add3A_95 = vector.broadcast %add3A_94 : i32 to vector<16xi32>
      %add3A_96 = arith.addi %iota3A_90, %add3A_95 : vector<16xi32>
      %swap3A_97 = arith.constant 0 : i32
      %swap3A_98 = arith.index_cast %swap3A_97 : i32 to index
      %swap3A_99 = arith.constant 32 : index
      %swap3A_100 = tpu.vector_load %arg8[%swap3A_98, %swap3A_99] {strides = array<i32>} : memref<2x128xi32, #tpu.memory_space<vmem>>, vector<1x16xi32>,
      %swap3A_101 = vector.shape_cast %swap3A_100 : vector<1x16xi32> to vector<16xi32>
      %swap3A_102 = vector.shape_cast %add3A_96 : vector<16xi32> to vector<1x16xi32>
      tpu.vector_store %arg8[%swap3A_98, %swap3A_99], %swap3A_102 {strides = array<i32>} : memref<2x128xi32, #tpu.memory_space<vmem>>, vector<1x16xi32>,
      %get3A_103 = arith.constant 0 : i32
      %get3A_104 = arith.index_cast %get3A_103 : i32 to index
      %get3A_105 = arith.constant 48 : index
      %get3A_106 = tpu.vector_load %arg6[%get3A_104, %get3A_105] {strides = array<i32>} : memref<2x128xi32, #tpu.memory_space<vmem>>, vector<1x16xi32>,
      %get3A_107 = vector.shape_cast %get3A_106 : vector<1x16xi32> to vector<16xi32>
      %min3A_108 = arith.constant 99999 : i32
      %min3A_109 = vector.broadcast %min3A_108 : i32 to vector<16xi32>
      %min3A_110 = arith.minsi %get3A_107, %min3A_109 : vector<16xi32>
      %swap3A_111 = arith.constant 0 : i32
      %swap3A_112 = arith.index_cast %swap3A_111 : i32 to index
      %swap3A_113 = arith.constant 48 : index
      %swap3A_114 = tpu.vector_load %arg7[%swap3A_112, %swap3A_113] {strides = array<i32>} : memref<2x128xi32, #tpu.memory_space<vmem>>, vector<1x16xi32>,
      %swap3A_115 = vector.shape_cast %swap3A_114 : vector<1x16xi32> to vector<16xi32>
      %swap3A_116 = vector.shape_cast %min3A_110 : vector<16xi32> to vector<1x16xi32>
      tpu.vector_store %arg7[%swap3A_112, %swap3A_113], %swap3A_116 {strides = array<i32>} : memref<2x128xi32, #tpu.memory_space<vmem>>, vector<1x16xi32>,
      %iota3A_117 = tpu.iota {dimensions = array<i32: 0>} : vector<16xi32>
      %mul3A_118 = arith.constant 128 : i32
      %mul3A_119 = arith.muli %add3A_2, %mul3A_118 : i32
      %add3A_120 = arith.constant 48 : i32
      %add3A_121 = arith.addi %mul3A_119, %add3A_120 : i32
      %add3A_122 = vector.broadcast %add3A_121 : i32 to vector<16xi32>
      %add3A_123 = arith.addi %iota3A_117, %add3A_122 : vector<16xi32>
      %swap3A_124 = arith.constant 0 : i32
      %swap3A_125 = arith.index_cast %swap3A_124 : i32 to index
      %swap3A_126 = arith.constant 48 : index
      %swap3A_127 = tpu.vector_load %arg8[%swap3A_125, %swap3A_126] {strides = array<i32>} : memref<2x128xi32, #tpu.memory_space<vmem>>, vector<1x16xi32>,
      %swap3A_128 = vector.shape_cast %swap3A_127 : vector<1x16xi32> to vector<16xi32>
      %swap3A_129 = vector.shape_cast %add3A_123 : vector<16xi32> to vector<1x16xi32>
      tpu.vector_store %arg8[%swap3A_125, %swap3A_126], %swap3A_129 {strides = array<i32>} : memref<2x128xi32, #tpu.memory_space<vmem>>, vector<1x16xi32>,
      %get3A_130 = arith.constant 0 : i32
      %get3A_131 = arith.index_cast %get3A_130 : i32 to index
      %get3A_132 = arith.constant 64 : index
      %get3A_133 = tpu.vector_load %arg6[%get3A_131, %get3A_132] {strides = array<i32>} : memref<2x128xi32, #tpu.memory_space<vmem>>, vector<1x16xi32>,
      %get3A_134 = vector.shape_cast %get3A_133 : vector<1x16xi32> to vector<16xi32>
      %min3A_135 = arith.constant 99999 : i32
      %min3A_136 = vector.broadcast %min3A_135 : i32 to vector<16xi32>
      %min3A_137 = arith.minsi %get3A_134, %min3A_136 : vector<16xi32>
      %swap3A_138 = arith.constant 0 : i32
      %swap3A_139 = arith.index_cast %swap3A_138 : i32 to index
      %swap3A_140 = arith.constant 64 : index
      %swap3A_141 = tpu.vector_load %arg7[%swap3A_139, %swap3A_140] {strides = array<i32>} : memref<2x128xi32, #tpu.memory_space<vmem>>, vector<1x16xi32>,
      %swap3A_142 = vector.shape_cast %swap3A_141 : vector<1x16xi32> to vector<16xi32>
      %swap3A_143 = vector.shape_cast %min3A_137 : vector<16xi32> to vector<1x16xi32>
      tpu.vector_store %arg7[%swap3A_139, %swap3A_140], %swap3A_143 {strides = array<i32>} : memref<2x128xi32, #tpu.memory_space<vmem>>, vector<1x16xi32>,
      %iota3A_144 = tpu.iota {dimensions = array<i32: 0>} : vector<16xi32>
      %mul3A_145 = arith.constant 128 : i32
      %mul3A_146 = arith.muli %add3A_2, %mul3A_145 : i32
      %add3A_147 = arith.constant 64 : i32
      %add3A_148 = arith.addi %mul3A_146, %add3A_147 : i32
      %add3A_149 = vector.broadcast %add3A_148 : i32 to vector<16xi32>
      %add3A_150 = arith.addi %iota3A_144, %add3A_149 : vector<16xi32>
      %swap3A_151 = arith.constant 0 : i32
      %swap3A_152 = arith.index_cast %swap3A_151 : i32 to index
      %swap3A_153 = arith.constant 64 : index
      %swap3A_154 = tpu.vector_load %arg8[%swap3A_152, %swap3A_153] {strides = array<i32>} : memref<2x128xi32, #tpu.memory_space<vmem>>, vector<1x16xi32>,
      %swap3A_155 = vector.shape_cast %swap3A_154 : vector<1x16xi32> to vector<16xi32>
      %swap3A_156 = vector.shape_cast %add3A_150 : vector<16xi32> to vector<1x16xi32>
      tpu.vector_store %arg8[%swap3A_152, %swap3A_153], %swap3A_156 {strides = array<i32>} : memref<2x128xi32, #tpu.memory_space<vmem>>, vector<1x16xi32>,
      %get3A_157 = arith.constant 0 : i32
      %get3A_158 = arith.index_cast %get3A_157 : i32 to index
      %get3A_159 = arith.constant 80 : index
      %get3A_160 = tpu.vector_load %arg6[%get3A_158, %get3A_159] {strides = array<i32>} : memref<2x128xi32, #tpu.memory_space<vmem>>, vector<1x16xi32>,
      %get3A_161 = vector.shape_cast %get3A_160 : vector<1x16xi32> to vector<16xi32>
      %min3A_162 = arith.constant 99999 : i32
      %min3A_163 = vector.broadcast %min3A_162 : i32 to vector<16xi32>
      %min3A_164 = arith.minsi %get3A_161, %min3A_163 : vector<16xi32>
      %swap3A_165 = arith.constant 0 : i32
      %swap3A_166 = arith.index_cast %swap3A_165 : i32 to index
      %swap3A_167 = arith.constant 80 : index
      %swap3A_168 = tpu.vector_load %arg7[%swap3A_166, %swap3A_167] {strides = array<i32>} : memref<2x128xi32, #tpu.memory_space<vmem>>, vector<1x16xi32>,
      %swap3A_169 = vector.shape_cast %swap3A_168 : vector<1x16xi32> to vector<16xi32>
      %swap3A_170 = vector.shape_cast %min3A_164 : vector<16xi32> to vector<1x16xi32>
      tpu.vector_store %arg7[%swap3A_166, %swap3A_167], %swap3A_170 {strides = array<i32>} : memref<2x128xi32, #tpu.memory_space<vmem>>, vector<1x16xi32>,
      %iota3A_171 = tpu.iota {dimensions = array<i32: 0>} : vector<16xi32>
      %mul3A_172 = arith.constant 128 : i32
      %mul3A_173 = arith.muli %add3A_2, %mul3A_172 : i32
      %add3A_174 = arith.constant 80 : i32
      %add3A_175 = arith.addi %mul3A_173, %add3A_174 : i32
      %add3A_176 = vector.broadcast %add3A_175 : i32 to vector<16xi32>
      %add3A_177 = arith.addi %iota3A_171, %add3A_176 : vector<16xi32>
      %swap3A_178 = arith.constant 0 : i32
      %swap3A_179 = arith.index_cast %swap3A_178 : i32 to index
      %swap3A_180 = arith.constant 80 : index
      %swap3A_181 = tpu.vector_load %arg8[%swap3A_179, %swap3A_180] {strides = array<i32>} : memref<2x128xi32, #tpu.memory_space<vmem>>, vector<1x16xi32>,
      %swap3A_182 = vector.shape_cast %swap3A_181 : vector<1x16xi32> to vector<16xi32>
      %swap3A_183 = vector.shape_cast %add3A_177 : vector<16xi32> to vector<1x16xi32>
      tpu.vector_store %arg8[%swap3A_179, %swap3A_180], %swap3A_183 {strides = array<i32>} : memref<2x128xi32, #tpu.memory_space<vmem>>, vector<1x16xi32>,
      %get3A_184 = arith.constant 0 : i32
      %get3A_185 = arith.index_cast %get3A_184 : i32 to index
      %get3A_186 = arith.constant 96 : index
      %get3A_187 = tpu.vector_load %arg6[%get3A_185, %get3A_186] {strides = array<i32>} : memref<2x128xi32, #tpu.memory_space<vmem>>, vector<1x16xi32>,
      %get3A_188 = vector.shape_cast %get3A_187 : vector<1x16xi32> to vector<16xi32>
      %min3A_189 = arith.constant 99999 : i32
      %min3A_190 = vector.broadcast %min3A_189 : i32 to vector<16xi32>
      %min3A_191 = arith.minsi %get3A_188, %min3A_190 : vector<16xi32>
      %swap3A_192 = arith.constant 0 : i32
      %swap3A_193 = arith.index_cast %swap3A_192 : i32 to index
      %swap3A_194 = arith.constant 96 : index
      %swap3A_195 = tpu.vector_load %arg7[%swap3A_193, %swap3A_194] {strides = array<i32>} : memref<2x128xi32, #tpu.memory_space<vmem>>, vector<1x16xi32>,
      %swap3A_196 = vector.shape_cast %swap3A_195 : vector<1x16xi32> to vector<16xi32>
      %swap3A_197 = vector.shape_cast %min3A_191 : vector<16xi32> to vector<1x16xi32>
      tpu.vector_store %arg7[%swap3A_193, %swap3A_194], %swap3A_197 {strides = array<i32>} : memref<2x128xi32, #tpu.memory_space<vmem>>, vector<1x16xi32>,
      %iota3A_198 = tpu.iota {dimensions = array<i32: 0>} : vector<16xi32>
      %mul3A_199 = arith.constant 128 : i32
      %mul3A_200 = arith.muli %add3A_2, %mul3A_199 : i32
      %add3A_201 = arith.constant 96 : i32
      %add3A_202 = arith.addi %mul3A_200, %add3A_201 : i32
      %add3A_203 = vector.broadcast %add3A_202 : i32 to vector<16xi32>
      %add3A_204 = arith.addi %iota3A_198, %add3A_203 : vector<16xi32>
      %swap3A_205 = arith.constant 0 : i32
      %swap3A_206 = arith.index_cast %swap3A_205 : i32 to index
      %swap3A_207 = arith.constant 96 : index
      %swap3A_208 = tpu.vector_load %arg8[%swap3A_206, %swap3A_207] {strides = array<i32>} : memref<2x128xi32, #tpu.memory_space<vmem>>, vector<1x16xi32>,
      %swap3A_209 = vector.shape_cast %swap3A_208 : vector<1x16xi32> to vector<16xi32>
      %swap3A_210 = vector.shape_cast %add3A_204 : vector<16xi32> to vector<1x16xi32>
      tpu.vector_store %arg8[%swap3A_206, %swap3A_207], %swap3A_210 {strides = array<i32>} : memref<2x128xi32, #tpu.memory_space<vmem>>, vector<1x16xi32>,
      %get3A_211 = arith.constant 0 : i32
      %get3A_212 = arith.index_cast %get3A_211 : i32 to index
      %get3A_213 = arith.constant 112 : index
      %get3A_214 = tpu.vector_load %arg6[%get3A_212, %get3A_213] {strides = array<i32>} : memref<2x128xi32, #tpu.memory_space<vmem>>, vector<1x16xi32>,
      %get3A_215 = vector.shape_cast %get3A_214 : vector<1x16xi32> to vector<16xi32>
      %min3A_216 = arith.constant 99999 : i32
      %min3A_217 = vector.broadcast %min3A_216 : i32 to vector<16xi32>
      %min3A_218 = arith.minsi %get3A_215, %min3A_217 : vector<16xi32>
      %swap3A_219 = arith.constant 0 : i32
      %swap3A_220 = arith.index_cast %swap3A_219 : i32 to index
      %swap3A_221 = arith.constant 112 : index
      %swap3A_222 = tpu.vector_load %arg7[%swap3A_220, %swap3A_221] {strides = array<i32>} : memref<2x128xi32, #tpu.memory_space<vmem>>, vector<1x16xi32>,
      %swap3A_223 = vector.shape_cast %swap3A_222 : vector<1x16xi32> to vector<16xi32>
      %swap3A_224 = vector.shape_cast %min3A_218 : vector<16xi32> to vector<1x16xi32>
      tpu.vector_store %arg7[%swap3A_220, %swap3A_221], %swap3A_224 {strides = array<i32>} : memref<2x128xi32, #tpu.memory_space<vmem>>, vector<1x16xi32>,
      %iota3A_225 = tpu.iota {dimensions = array<i32: 0>} : vector<16xi32>
      %mul3A_226 = arith.constant 128 : i32
      %mul3A_227 = arith.muli %add3A_2, %mul3A_226 : i32
      %add3A_228 = arith.constant 112 : i32
      %add3A_229 = arith.addi %mul3A_227, %add3A_228 : i32
      %add3A_230 = vector.broadcast %add3A_229 : i32 to vector<16xi32>
      %add3A_231 = arith.addi %iota3A_225, %add3A_230 : vector<16xi32>
      %swap3A_232 = arith.constant 0 : i32
      %swap3A_233 = arith.index_cast %swap3A_232 : i32 to index
      %swap3A_234 = arith.constant 112 : index
      %swap3A_235 = tpu.vector_load %arg8[%swap3A_233, %swap3A_234] {strides = array<i32>} : memref<2x128xi32, #tpu.memory_space<vmem>>, vector<1x16xi32>,
      %swap3A_236 = vector.shape_cast %swap3A_235 : vector<1x16xi32> to vector<16xi32>
      %swap3A_237 = vector.shape_cast %add3A_231 : vector<16xi32> to vector<1x16xi32>
      tpu.vector_store %arg8[%swap3A_233, %swap3A_234], %swap3A_237 {strides = array<i32>} : memref<2x128xi32, #tpu.memory_space<vmem>>, vector<1x16xi32>,
      %dma_start3A = arith.constant 0 : i32
      %dma_start3A_238 = arith.constant 0 : i32
      %dma_start3A_239 = arith.constant 0 : i32
      %dma_start3A_240 = arith.constant 0 : i32
      %dma_start3A_241 = tpu.memref_slice %arg9[%dma_start3A_238, %dma_start3A_239, %dma_start3A_240] : memref<2x128x128xf32, #tpu.memory_space<vmem>> -> memref<1x128x128xf32, #tpu.memory_space<vmem>>
      %dma_start3A_242 = tpu.memref_squeeze %dma_start3A_241 : memref<1x128x128xf32, #tpu.memory_space<vmem>> -> memref<128x128xf32, #tpu.memory_space<vmem>>
      %dma_start3A_243 = arith.constant 0 : i32
      %dma_start3A_244 = tpu.memref_slice %arg7[%dma_start3A, %dma_start3A_243] : memref<2x128xi32, #tpu.memory_space<vmem>> -> memref<1x128xi32, #tpu.memory_space<vmem>>
      %dma_start3A_245 = tpu.memref_squeeze %dma_start3A_244 : memref<1x128xi32, #tpu.memory_space<vmem>> -> memref<128xi32, #tpu.memory_space<vmem>>
      %dma_start3A_246 = arith.constant 0 : i32
      %dma_start3A_247 = arith.constant 0 : i32
      %dma_start3A_248 = tpu.memref_slice %arg2[%dma_start3A_246, %dma_start3A_247] : memref<100000x128xf32, #tpu.memory_space<hbm>> -> memref<100000x128xf32, #tpu.memory_space<hbm>>
      tpu.enqueue_indirect_dma source(%dma_start3A_248 : memref<100000x128xf32, #tpu.memory_space<hbm>>) target(%dma_start3A_242 : memref<128x128xf32, #tpu.memory_space<vmem>>) offsets(%dma_start3A_245 : memref<128xi32, #tpu.memory_space<vmem>>) semaphore(%arg10 : memref<!tpu.dma_semaphore, #tpu.memory_space<semaphore_mem>>)
      %dma_start3A_249 = arith.constant 0 : i32
      %dma_start3A_250 = arith.constant 0 : i32
      %dma_start3A_251 = arith.constant 0 : i32
      %dma_start3A_252 = tpu.memref_slice %arg8[%dma_start3A_249, %dma_start3A_251] : memref<2x128xi32, #tpu.memory_space<vmem>> -> memref<1x128xi32, #tpu.memory_space<vmem>>
      %dma_start3A_253 = tpu.memref_squeeze %dma_start3A_252 : memref<1x128xi32, #tpu.memory_space<vmem>> -> memref<128xi32, #tpu.memory_space<vmem>>
      %dma_start3A_254 = arith.constant 0 : i32
      %dma_start3A_255 = tpu.memref_slice %arg6[%dma_start3A_250, %dma_start3A_254] : memref<2x128xi32, #tpu.memory_space<vmem>> -> memref<1x128xi32, #tpu.memory_space<vmem>>
      %dma_start3A_256 = tpu.memref_squeeze %dma_start3A_255 : memref<1x128xi32, #tpu.memory_space<vmem>> -> memref<128xi32, #tpu.memory_space<vmem>>
      %dma_start3A_257 = arith.constant 0 : i32
      %dma_start3A_258 = tpu.memref_slice %arg5[%dma_start3A_257] : memref<100008xi32, #tpu.memory_space<hbm>> -> memref<100008xi32, #tpu.memory_space<hbm>>
      tpu.enqueue_indirect_dma source(%dma_start3A_253 : memref<128xi32, #tpu.memory_space<vmem>>) target(%dma_start3A_258 : memref<100008xi32, #tpu.memory_space<hbm>>) offsets(%dma_start3A_256 : memref<128xi32, #tpu.memory_space<vmem>>) semaphore(%arg11 : memref<!tpu.dma_semaphore, #tpu.memory_space<semaphore_mem>>)
    } else {
    }
    %add3A_5 = arith.constant 32 : i32
    %add3A_6 = arith.addi %add3A, %add3A_5 : i32
    %lt3A_7 = arith.constant 40 : i32
    %lt3A_8 = arith.cmpi slt, %add3A_6, %lt3A_7 : i32
    %convert_element_type3A_9 = arith.extui %lt3A_8 : i1 to i32
    %cond3A_10 = arith.constant 0 : i32
    %cond3A_11 = arith.cmpi ne, %convert_element_type3A_9, %cond3A_10 : i32
    scf.if %cond3A_11 {
      %run_scoped3A = arith.constant 1 : i32
      "tpu.region"() ({
        %run_scoped3A_259 = tpu.sem_alloc : memref<!tpu.dma_semaphore, #tpu.memory_space<semaphore_mem>>
        %dma_start3A_260 = arith.constant 0 : i32
        %dma_start3A_261 = tpu.memref_slice %arg6[%run_scoped3A, %dma_start3A_260] : memref<2x128xi32, #tpu.memory_space<vmem>> -> memref<1x128xi32, #tpu.memory_space<vmem>>
        %dma_start3A_262 = tpu.memref_squeeze %dma_start3A_261 : memref<1x128xi32, #tpu.memory_space<vmem>> -> memref<128xi32, #tpu.memory_space<vmem>>
        %dma_start3A_263 = arith.constant 0 : i32
        %dma_start3A_264 = tpu.memref_slice %arg3[%add3A_6, %dma_start3A_263] : memref<40x128xi32, #tpu.memory_space<hbm>> -> memref<1x128xi32, #tpu.memory_space<hbm>>
        %dma_start3A_265 = tpu.memref_squeeze %dma_start3A_264 : memref<1x128xi32, #tpu.memory_space<hbm>> -> memref<128xi32, #tpu.memory_space<hbm>>
        %dma_start3A_266 = arith.constant 0 : i32
        %dma_start3A_267 = tpu.memref_slice %arg6[%run_scoped3A, %dma_start3A_266] : memref<2x128xi32, #tpu.memory_space<vmem>> -> memref<1x128xi32, #tpu.memory_space<vmem>>
        %dma_start3A_268 = tpu.memref_squeeze %dma_start3A_267 : memref<1x128xi32, #tpu.memory_space<vmem>> -> memref<128xi32, #tpu.memory_space<vmem>>
        %dma_start3A_269 = arith.constant 0 : i32
        %dma_start3A_270 = tpu.memref_slice %arg3[%add3A_6, %dma_start3A_269] : memref<40x128xi32, #tpu.memory_space<hbm>> -> memref<1x128xi32, #tpu.memory_space<hbm>>
        %dma_start3A_271 = tpu.memref_squeeze %dma_start3A_270 : memref<1x128xi32, #tpu.memory_space<hbm>> -> memref<128xi32, #tpu.memory_space<hbm>>
        tpu.enqueue_dma source(%dma_start3A_271 : memref<128xi32, #tpu.memory_space<hbm>>) target(%dma_start3A_268 : memref<128xi32, #tpu.memory_space<vmem>>) target_semaphore(%run_scoped3A_259 : memref<!tpu.dma_semaphore, #tpu.memory_space<semaphore_mem>>)
        %dma_wait3A = arith.constant 0 : i32
        %dma_wait3A_272 = tpu.memref_slice %arg6[%run_scoped3A, %dma_wait3A] : memref<2x128xi32, #tpu.memory_space<vmem>> -> memref<1x128xi32, #tpu.memory_space<vmem>>
        %dma_wait3A_273 = tpu.memref_squeeze %dma_wait3A_272 : memref<1x128xi32, #tpu.memory_space<vmem>> -> memref<128xi32, #tpu.memory_space<vmem>>
        %dma_wait3A_274 = arith.constant 0 : i32
        %dma_wait3A_275 = tpu.memref_slice %arg3[%add3A_6, %dma_wait3A_274] : memref<40x128xi32, #tpu.memory_space<hbm>> -> memref<1x128xi32, #tpu.memory_space<hbm>>
        %dma_wait3A_276 = tpu.memref_squeeze %dma_wait3A_275 : memref<1x128xi32, #tpu.memory_space<hbm>> -> memref<128xi32, #tpu.memory_space<hbm>>
        %dma_wait3A_277 = arith.constant 0 : i32
        %dma_wait3A_278 = tpu.memref_slice %arg6[%run_scoped3A, %dma_wait3A_277] : memref<2x128xi32, #tpu.memory_space<vmem>> -> memref<1x128xi32, #tpu.memory_space<vmem>>
        %dma_wait3A_279 = tpu.memref_squeeze %dma_wait3A_278 : memref<1x128xi32, #tpu.memory_space<vmem>> -> memref<128xi32, #tpu.memory_space<vmem>>
        %dma_wait3A_280 = arith.constant 0 : i32
        %dma_wait3A_281 = tpu.memref_slice %arg3[%add3A_6, %dma_wait3A_280] : memref<40x128xi32, #tpu.memory_space<hbm>> -> memref<1x128xi32, #tpu.memory_space<hbm>>
        %dma_wait3A_282 = tpu.memref_squeeze %dma_wait3A_281 : memref<1x128xi32, #tpu.memory_space<hbm>> -> memref<128xi32, #tpu.memory_space<hbm>>
        tpu.wait_dma2 semaphore(%run_scoped3A_259 : memref<!tpu.dma_semaphore, #tpu.memory_space<semaphore_mem>>) src(%dma_wait3A_282 : memref<128xi32, #tpu.memory_space<hbm>>) dst(%dma_wait3A_279 : memref<128xi32, #tpu.memory_space<vmem>>)
        tpu.yield
      }) : () -> ()
      %get3A = arith.constant 1 : i32
      %get3A_26 = arith.index_cast %get3A : i32 to index
      %get3A_27 = arith.constant 0 : index
      %get3A_28 = tpu.vector_load %arg6[%get3A_26, %get3A_27] {strides = array<i32>} : memref<2x128xi32, #tpu.memory_space<vmem>>, vector<1x16xi32>,
      %get3A_29 = vector.shape_cast %get3A_28 : vector<1x16xi32> to vector<16xi32>
      %min3A = arith.constant 99999 : i32
      %min3A_30 = vector.broadcast %min3A : i32 to vector<16xi32>
      %min3A_31 = arith.minsi %get3A_29, %min3A_30 : vector<16xi32>
      %swap3A = arith.constant 1 : i32
      %swap3A_32 = arith.index_cast %swap3A : i32 to index
      %swap3A_33 = arith.constant 0 : index
      %swap3A_34 = tpu.vector_load %arg7[%swap3A_32, %swap3A_33] {strides = array<i32>} : memref<2x128xi32, #tpu.memory_space<vmem>>, vector<1x16xi32>,
      %swap3A_35 = vector.shape_cast %swap3A_34 : vector<1x16xi32> to vector<16xi32>
      %swap3A_36 = vector.shape_cast %min3A_31 : vector<16xi32> to vector<1x16xi32>
      tpu.vector_store %arg7[%swap3A_32, %swap3A_33], %swap3A_36 {strides = array<i32>} : memref<2x128xi32, #tpu.memory_space<vmem>>, vector<1x16xi32>,
      %iota3A = tpu.iota {dimensions = array<i32: 0>} : vector<16xi32>
      %mul3A_37 = arith.constant 128 : i32
      %mul3A_38 = arith.muli %add3A_6, %mul3A_37 : i32
      %add3A_39 = arith.constant 0 : i32
      %add3A_40 = arith.addi %mul3A_38, %add3A_39 : i32
      %add3A_41 = vector.broadcast %add3A_40 : i32 to vector<16xi32>
      %add3A_42 = arith.addi %iota3A, %add3A_41 : vector<16xi32>
      %swap3A_43 = arith.constant 1 : i32
      %swap3A_44 = arith.index_cast %swap3A_43 : i32 to index
      %swap3A_45 = arith.constant 0 : index
      %swap3A_46 = tpu.vector_load %arg8[%swap3A_44, %swap3A_45] {strides = array<i32>} : memref<2x128xi32, #tpu.memory_space<vmem>>, vector<1x16xi32>,
      %swap3A_47 = vector.shape_cast %swap3A_46 : vector<1x16xi32> to vector<16xi32>
      %swap3A_48 = vector.shape_cast %add3A_42 : vector<16xi32> to vector<1x16xi32>
      tpu.vector_store %arg8[%swap3A_44, %swap3A_45], %swap3A_48 {strides = array<i32>} : memref<2x128xi32, #tpu.memory_space<vmem>>, vector<1x16xi32>,
      %get3A_49 = arith.constant 1 : i32
      %get3A_50 = arith.index_cast %get3A_49 : i32 to index
      %get3A_51 = arith.constant 16 : index
      %get3A_52 = tpu.vector_load %arg6[%get3A_50, %get3A_51] {strides = array<i32>} : memref<2x128xi32, #tpu.memory_space<vmem>>, vector<1x16xi32>,
      %get3A_53 = vector.shape_cast %get3A_52 : vector<1x16xi32> to vector<16xi32>
      %min3A_54 = arith.constant 99999 : i32
      %min3A_55 = vector.broadcast %min3A_54 : i32 to vector<16xi32>
      %min3A_56 = arith.minsi %get3A_53, %min3A_55 : vector<16xi32>
      %swap3A_57 = arith.constant 1 : i32
      %swap3A_58 = arith.index_cast %swap3A_57 : i32 to index
      %swap3A_59 = arith.constant 16 : index
      %swap3A_60 = tpu.vector_load %arg7[%swap3A_58, %swap3A_59] {strides = array<i32>} : memref<2x128xi32, #tpu.memory_space<vmem>>, vector<1x16xi32>,
      %swap3A_61 = vector.shape_cast %swap3A_60 : vector<1x16xi32> to vector<16xi32>
      %swap3A_62 = vector.shape_cast %min3A_56 : vector<16xi32> to vector<1x16xi32>
      tpu.vector_store %arg7[%swap3A_58, %swap3A_59], %swap3A_62 {strides = array<i32>} : memref<2x128xi32, #tpu.memory_space<vmem>>, vector<1x16xi32>,
      %iota3A_63 = tpu.iota {dimensions = array<i32: 0>} : vector<16xi32>
      %mul3A_64 = arith.constant 128 : i32
      %mul3A_65 = arith.muli %add3A_6, %mul3A_64 : i32
      %add3A_66 = arith.constant 16 : i32
      %add3A_67 = arith.addi %mul3A_65, %add3A_66 : i32
      %add3A_68 = vector.broadcast %add3A_67 : i32 to vector<16xi32>
      %add3A_69 = arith.addi %iota3A_63, %add3A_68 : vector<16xi32>
      %swap3A_70 = arith.constant 1 : i32
      %swap3A_71 = arith.index_cast %swap3A_70 : i32 to index
      %swap3A_72 = arith.constant 16 : index
      %swap3A_73 = tpu.vector_load %arg8[%swap3A_71, %swap3A_72] {strides = array<i32>} : memref<2x128xi32, #tpu.memory_space<vmem>>, vector<1x16xi32>,
      %swap3A_74 = vector.shape_cast %swap3A_73 : vector<1x16xi32> to vector<16xi32>
      %swap3A_75 = vector.shape_cast %add3A_69 : vector<16xi32> to vector<1x16xi32>
      tpu.vector_store %arg8[%swap3A_71, %swap3A_72], %swap3A_75 {strides = array<i32>} : memref<2x128xi32, #tpu.memory_space<vmem>>, vector<1x16xi32>,
      %get3A_76 = arith.constant 1 : i32
      %get3A_77 = arith.index_cast %get3A_76 : i32 to index
      %get3A_78 = arith.constant 32 : index
      %get3A_79 = tpu.vector_load %arg6[%get3A_77, %get3A_78] {strides = array<i32>} : memref<2x128xi32, #tpu.memory_space<vmem>>, vector<1x16xi32>,
      %get3A_80 = vector.shape_cast %get3A_79 : vector<1x16xi32> to vector<16xi32>
      %min3A_81 = arith.constant 99999 : i32
      %min3A_82 = vector.broadcast %min3A_81 : i32 to vector<16xi32>
      %min3A_83 = arith.minsi %get3A_80, %min3A_82 : vector<16xi32>
      %swap3A_84 = arith.constant 1 : i32
      %swap3A_85 = arith.index_cast %swap3A_84 : i32 to index
      %swap3A_86 = arith.constant 32 : index
      %swap3A_87 = tpu.vector_load %arg7[%swap3A_85, %swap3A_86] {strides = array<i32>} : memref<2x128xi32, #tpu.memory_space<vmem>>, vector<1x16xi32>,
      %swap3A_88 = vector.shape_cast %swap3A_87 : vector<1x16xi32> to vector<16xi32>
      %swap3A_89 = vector.shape_cast %min3A_83 : vector<16xi32> to vector<1x16xi32>
      tpu.vector_store %arg7[%swap3A_85, %swap3A_86], %swap3A_89 {strides = array<i32>} : memref<2x128xi32, #tpu.memory_space<vmem>>, vector<1x16xi32>,
      %iota3A_90 = tpu.iota {dimensions = array<i32: 0>} : vector<16xi32>
      %mul3A_91 = arith.constant 128 : i32
      %mul3A_92 = arith.muli %add3A_6, %mul3A_91 : i32
      %add3A_93 = arith.constant 32 : i32
      %add3A_94 = arith.addi %mul3A_92, %add3A_93 : i32
      %add3A_95 = vector.broadcast %add3A_94 : i32 to vector<16xi32>
      %add3A_96 = arith.addi %iota3A_90, %add3A_95 : vector<16xi32>
      %swap3A_97 = arith.constant 1 : i32
      %swap3A_98 = arith.index_cast %swap3A_97 : i32 to index
      %swap3A_99 = arith.constant 32 : index
      %swap3A_100 = tpu.vector_load %arg8[%swap3A_98, %swap3A_99] {strides = array<i32>} : memref<2x128xi32, #tpu.memory_space<vmem>>, vector<1x16xi32>,
      %swap3A_101 = vector.shape_cast %swap3A_100 : vector<1x16xi32> to vector<16xi32>
      %swap3A_102 = vector.shape_cast %add3A_96 : vector<16xi32> to vector<1x16xi32>
      tpu.vector_store %arg8[%swap3A_98, %swap3A_99], %swap3A_102 {strides = array<i32>} : memref<2x128xi32, #tpu.memory_space<vmem>>, vector<1x16xi32>,
      %get3A_103 = arith.constant 1 : i32
      %get3A_104 = arith.index_cast %get3A_103 : i32 to index
      %get3A_105 = arith.constant 48 : index
      %get3A_106 = tpu.vector_load %arg6[%get3A_104, %get3A_105] {strides = array<i32>} : memref<2x128xi32, #tpu.memory_space<vmem>>, vector<1x16xi32>,
      %get3A_107 = vector.shape_cast %get3A_106 : vector<1x16xi32> to vector<16xi32>
      %min3A_108 = arith.constant 99999 : i32
      %min3A_109 = vector.broadcast %min3A_108 : i32 to vector<16xi32>
      %min3A_110 = arith.minsi %get3A_107, %min3A_109 : vector<16xi32>
      %swap3A_111 = arith.constant 1 : i32
      %swap3A_112 = arith.index_cast %swap3A_111 : i32 to index
      %swap3A_113 = arith.constant 48 : index
      %swap3A_114 = tpu.vector_load %arg7[%swap3A_112, %swap3A_113] {strides = array<i32>} : memref<2x128xi32, #tpu.memory_space<vmem>>, vector<1x16xi32>,
      %swap3A_115 = vector.shape_cast %swap3A_114 : vector<1x16xi32> to vector<16xi32>
      %swap3A_116 = vector.shape_cast %min3A_110 : vector<16xi32> to vector<1x16xi32>
      tpu.vector_store %arg7[%swap3A_112, %swap3A_113], %swap3A_116 {strides = array<i32>} : memref<2x128xi32, #tpu.memory_space<vmem>>, vector<1x16xi32>,
      %iota3A_117 = tpu.iota {dimensions = array<i32: 0>} : vector<16xi32>
      %mul3A_118 = arith.constant 128 : i32
      %mul3A_119 = arith.muli %add3A_6, %mul3A_118 : i32
      %add3A_120 = arith.constant 48 : i32
      %add3A_121 = arith.addi %mul3A_119, %add3A_120 : i32
      %add3A_122 = vector.broadcast %add3A_121 : i32 to vector<16xi32>
      %add3A_123 = arith.addi %iota3A_117, %add3A_122 : vector<16xi32>
      %swap3A_124 = arith.constant 1 : i32
      %swap3A_125 = arith.index_cast %swap3A_124 : i32 to index
      %swap3A_126 = arith.constant 48 : index
      %swap3A_127 = tpu.vector_load %arg8[%swap3A_125, %swap3A_126] {strides = array<i32>} : memref<2x128xi32, #tpu.memory_space<vmem>>, vector<1x16xi32>,
      %swap3A_128 = vector.shape_cast %swap3A_127 : vector<1x16xi32> to vector<16xi32>
      %swap3A_129 = vector.shape_cast %add3A_123 : vector<16xi32> to vector<1x16xi32>
      tpu.vector_store %arg8[%swap3A_125, %swap3A_126], %swap3A_129 {strides = array<i32>} : memref<2x128xi32, #tpu.memory_space<vmem>>, vector<1x16xi32>,
      %get3A_130 = arith.constant 1 : i32
      %get3A_131 = arith.index_cast %get3A_130 : i32 to index
      %get3A_132 = arith.constant 64 : index
      %get3A_133 = tpu.vector_load %arg6[%get3A_131, %get3A_132] {strides = array<i32>} : memref<2x128xi32, #tpu.memory_space<vmem>>, vector<1x16xi32>,
      %get3A_134 = vector.shape_cast %get3A_133 : vector<1x16xi32> to vector<16xi32>
      %min3A_135 = arith.constant 99999 : i32
      %min3A_136 = vector.broadcast %min3A_135 : i32 to vector<16xi32>
      %min3A_137 = arith.minsi %get3A_134, %min3A_136 : vector<16xi32>
      %swap3A_138 = arith.constant 1 : i32
      %swap3A_139 = arith.index_cast %swap3A_138 : i32 to index
      %swap3A_140 = arith.constant 64 : index
      %swap3A_141 = tpu.vector_load %arg7[%swap3A_139, %swap3A_140] {strides = array<i32>} : memref<2x128xi32, #tpu.memory_space<vmem>>, vector<1x16xi32>,
      %swap3A_142 = vector.shape_cast %swap3A_141 : vector<1x16xi32> to vector<16xi32>
      %swap3A_143 = vector.shape_cast %min3A_137 : vector<16xi32> to vector<1x16xi32>
      tpu.vector_store %arg7[%swap3A_139, %swap3A_140], %swap3A_143 {strides = array<i32>} : memref<2x128xi32, #tpu.memory_space<vmem>>, vector<1x16xi32>,
      %iota3A_144 = tpu.iota {dimensions = array<i32: 0>} : vector<16xi32>
      %mul3A_145 = arith.constant 128 : i32
      %mul3A_146 = arith.muli %add3A_6, %mul3A_145 : i32
      %add3A_147 = arith.constant 64 : i32
      %add3A_148 = arith.addi %mul3A_146, %add3A_147 : i32
      %add3A_149 = vector.broadcast %add3A_148 : i32 to vector<16xi32>
      %add3A_150 = arith.addi %iota3A_144, %add3A_149 : vector<16xi32>
      %swap3A_151 = arith.constant 1 : i32
      %swap3A_152 = arith.index_cast %swap3A_151 : i32 to index
      %swap3A_153 = arith.constant 64 : index
      %swap3A_154 = tpu.vector_load %arg8[%swap3A_152, %swap3A_153] {strides = array<i32>} : memref<2x128xi32, #tpu.memory_space<vmem>>, vector<1x16xi32>,
      %swap3A_155 = vector.shape_cast %swap3A_154 : vector<1x16xi32> to vector<16xi32>
      %swap3A_156 = vector.shape_cast %add3A_150 : vector<16xi32> to vector<1x16xi32>
      tpu.vector_store %arg8[%swap3A_152, %swap3A_153], %swap3A_156 {strides = array<i32>} : memref<2x128xi32, #tpu.memory_space<vmem>>, vector<1x16xi32>,
      %get3A_157 = arith.constant 1 : i32
      %get3A_158 = arith.index_cast %get3A_157 : i32 to index
      %get3A_159 = arith.constant 80 : index
      %get3A_160 = tpu.vector_load %arg6[%get3A_158, %get3A_159] {strides = array<i32>} : memref<2x128xi32, #tpu.memory_space<vmem>>, vector<1x16xi32>,
      %get3A_161 = vector.shape_cast %get3A_160 : vector<1x16xi32> to vector<16xi32>
      %min3A_162 = arith.constant 99999 : i32
      %min3A_163 = vector.broadcast %min3A_162 : i32 to vector<16xi32>
      %min3A_164 = arith.minsi %get3A_161, %min3A_163 : vector<16xi32>
      %swap3A_165 = arith.constant 1 : i32
      %swap3A_166 = arith.index_cast %swap3A_165 : i32 to index
      %swap3A_167 = arith.constant 80 : index
      %swap3A_168 = tpu.vector_load %arg7[%swap3A_166, %swap3A_167] {strides = array<i32>} : memref<2x128xi32, #tpu.memory_space<vmem>>, vector<1x16xi32>,
      %swap3A_169 = vector.shape_cast %swap3A_168 : vector<1x16xi32> to vector<16xi32>
      %swap3A_170 = vector.shape_cast %min3A_164 : vector<16xi32> to vector<1x16xi32>
      tpu.vector_store %arg7[%swap3A_166, %swap3A_167], %swap3A_170 {strides = array<i32>} : memref<2x128xi32, #tpu.memory_space<vmem>>, vector<1x16xi32>,
      %iota3A_171 = tpu.iota {dimensions = array<i32: 0>} : vector<16xi32>
      %mul3A_172 = arith.constant 128 : i32
      %mul3A_173 = arith.muli %add3A_6, %mul3A_172 : i32
      %add3A_174 = arith.constant 80 : i32
      %add3A_175 = arith.addi %mul3A_173, %add3A_174 : i32
      %add3A_176 = vector.broadcast %add3A_175 : i32 to vector<16xi32>
      %add3A_177 = arith.addi %iota3A_171, %add3A_176 : vector<16xi32>
      %swap3A_178 = arith.constant 1 : i32
      %swap3A_179 = arith.index_cast %swap3A_178 : i32 to index
      %swap3A_180 = arith.constant 80 : index
      %swap3A_181 = tpu.vector_load %arg8[%swap3A_179, %swap3A_180] {strides = array<i32>} : memref<2x128xi32, #tpu.memory_space<vmem>>, vector<1x16xi32>,
      %swap3A_182 = vector.shape_cast %swap3A_181 : vector<1x16xi32> to vector<16xi32>
      %swap3A_183 = vector.shape_cast %add3A_177 : vector<16xi32> to vector<1x16xi32>
      tpu.vector_store %arg8[%swap3A_179, %swap3A_180], %swap3A_183 {strides = array<i32>} : memref<2x128xi32, #tpu.memory_space<vmem>>, vector<1x16xi32>,
      %get3A_184 = arith.constant 1 : i32
      %get3A_185 = arith.index_cast %get3A_184 : i32 to index
      %get3A_186 = arith.constant 96 : index
      %get3A_187 = tpu.vector_load %arg6[%get3A_185, %get3A_186] {strides = array<i32>} : memref<2x128xi32, #tpu.memory_space<vmem>>, vector<1x16xi32>,
      %get3A_188 = vector.shape_cast %get3A_187 : vector<1x16xi32> to vector<16xi32>
      %min3A_189 = arith.constant 99999 : i32
      %min3A_190 = vector.broadcast %min3A_189 : i32 to vector<16xi32>
      %min3A_191 = arith.minsi %get3A_188, %min3A_190 : vector<16xi32>
      %swap3A_192 = arith.constant 1 : i32
      %swap3A_193 = arith.index_cast %swap3A_192 : i32 to index
      %swap3A_194 = arith.constant 96 : index
      %swap3A_195 = tpu.vector_load %arg7[%swap3A_193, %swap3A_194] {strides = array<i32>} : memref<2x128xi32, #tpu.memory_space<vmem>>, vector<1x16xi32>,
      %swap3A_196 = vector.shape_cast %swap3A_195 : vector<1x16xi32> to vector<16xi32>
      %swap3A_197 = vector.shape_cast %min3A_191 : vector<16xi32> to vector<1x16xi32>
      tpu.vector_store %arg7[%swap3A_193, %swap3A_194], %swap3A_197 {strides = array<i32>} : memref<2x128xi32, #tpu.memory_space<vmem>>, vector<1x16xi32>,
      %iota3A_198 = tpu.iota {dimensions = array<i32: 0>} : vector<16xi32>
      %mul3A_199 = arith.constant 128 : i32
      %mul3A_200 = arith.muli %add3A_6, %mul3A_199 : i32
      %add3A_201 = arith.constant 96 : i32
      %add3A_202 = arith.addi %mul3A_200, %add3A_201 : i32
      %add3A_203 = vector.broadcast %add3A_202 : i32 to vector<16xi32>
      %add3A_204 = arith.addi %iota3A_198, %add3A_203 : vector<16xi32>
      %swap3A_205 = arith.constant 1 : i32
      %swap3A_206 = arith.index_cast %swap3A_205 : i32 to index
      %swap3A_207 = arith.constant 96 : index
      %swap3A_208 = tpu.vector_load %arg8[%swap3A_206, %swap3A_207] {strides = array<i32>} : memref<2x128xi32, #tpu.memory_space<vmem>>, vector<1x16xi32>,
      %swap3A_209 = vector.shape_cast %swap3A_208 : vector<1x16xi32> to vector<16xi32>
      %swap3A_210 = vector.shape_cast %add3A_204 : vector<16xi32> to vector<1x16xi32>
      tpu.vector_store %arg8[%swap3A_206, %swap3A_207], %swap3A_210 {strides = array<i32>} : memref<2x128xi32, #tpu.memory_space<vmem>>, vector<1x16xi32>,
      %get3A_211 = arith.constant 1 : i32
      %get3A_212 = arith.index_cast %get3A_211 : i32 to index
      %get3A_213 = arith.constant 112 : index
      %get3A_214 = tpu.vector_load %arg6[%get3A_212, %get3A_213] {strides = array<i32>} : memref<2x128xi32, #tpu.memory_space<vmem>>, vector<1x16xi32>,
      %get3A_215 = vector.shape_cast %get3A_214 : vector<1x16xi32> to vector<16xi32>
      %min3A_216 = arith.constant 99999 : i32
      %min3A_217 = vector.broadcast %min3A_216 : i32 to vector<16xi32>
      %min3A_218 = arith.minsi %get3A_215, %min3A_217 : vector<16xi32>
      %swap3A_219 = arith.constant 1 : i32
      %swap3A_220 = arith.index_cast %swap3A_219 : i32 to index
      %swap3A_221 = arith.constant 112 : index
      %swap3A_222 = tpu.vector_load %arg7[%swap3A_220, %swap3A_221] {strides = array<i32>} : memref<2x128xi32, #tpu.memory_space<vmem>>, vector<1x16xi32>,
      %swap3A_223 = vector.shape_cast %swap3A_222 : vector<1x16xi32> to vector<16xi32>
      %swap3A_224 = vector.shape_cast %min3A_218 : vector<16xi32> to vector<1x16xi32>
      tpu.vector_store %arg7[%swap3A_220, %swap3A_221], %swap3A_224 {strides = array<i32>} : memref<2x128xi32, #tpu.memory_space<vmem>>, vector<1x16xi32>,
      %iota3A_225 = tpu.iota {dimensions = array<i32: 0>} : vector<16xi32>
      %mul3A_226 = arith.constant 128 : i32
      %mul3A_227 = arith.muli %add3A_6, %mul3A_226 : i32
      %add3A_228 = arith.constant 112 : i32
      %add3A_229 = arith.addi %mul3A_227, %add3A_228 : i32
      %add3A_230 = vector.broadcast %add3A_229 : i32 to vector<16xi32>
      %add3A_231 = arith.addi %iota3A_225, %add3A_230 : vector<16xi32>
      %swap3A_232 = arith.constant 1 : i32
      %swap3A_233 = arith.index_cast %swap3A_232 : i32 to index
      %swap3A_234 = arith.constant 112 : index
      %swap3A_235 = tpu.vector_load %arg8[%swap3A_233, %swap3A_234] {strides = array<i32>} : memref<2x128xi32, #tpu.memory_space<vmem>>, vector<1x16xi32>,
      %swap3A_236 = vector.shape_cast %swap3A_235 : vector<1x16xi32> to vector<16xi32>
      %swap3A_237 = vector.shape_cast %add3A_231 : vector<16xi32> to vector<1x16xi32>
      tpu.vector_store %arg8[%swap3A_233, %swap3A_234], %swap3A_237 {strides = array<i32>} : memref<2x128xi32, #tpu.memory_space<vmem>>, vector<1x16xi32>,
      %dma_start3A = arith.constant 1 : i32
      %dma_start3A_238 = arith.constant 1 : i32
      %dma_start3A_239 = arith.constant 0 : i32
      %dma_start3A_240 = arith.constant 0 : i32
      %dma_start3A_241 = tpu.memref_slice %arg9[%dma_start3A_238, %dma_start3A_239, %dma_start3A_240] : memref<2x128x128xf32, #tpu.memory_space<vmem>> -> memref<1x128x128xf32, #tpu.memory_space<vmem>>
      %dma_start3A_242 = tpu.memref_squeeze %dma_start3A_241 : memref<1x128x128xf32, #tpu.memory_space<vmem>> -> memref<128x128xf32, #tpu.memory_space<vmem>>
      %dma_start3A_243 = arith.constant 0 : i32
      %dma_start3A_244 = tpu.memref_slice %arg7[%dma_start3A, %dma_start3A_243] : memref<2x128xi32, #tpu.memory_space<vmem>> -> memref<1x128xi32, #tpu.memory_space<vmem>>
      %dma_start3A_245 = tpu.memref_squeeze %dma_start3A_244 : memref<1x128xi32, #tpu.memory_space<vmem>> -> memref<128xi32, #tpu.memory_space<vmem>>
      %dma_start3A_246 = arith.constant 0 : i32
      %dma_start3A_247 = arith.constant 0 : i32
      %dma_start3A_248 = tpu.memref_slice %arg2[%dma_start3A_246, %dma_start3A_247] : memref<100000x128xf32, #tpu.memory_space<hbm>> -> memref<100000x128xf32, #tpu.memory_space<hbm>>
      tpu.enqueue_indirect_dma source(%dma_start3A_248 : memref<100000x128xf32, #tpu.memory_space<hbm>>) target(%dma_start3A_242 : memref<128x128xf32, #tpu.memory_space<vmem>>) offsets(%dma_start3A_245 : memref<128xi32, #tpu.memory_space<vmem>>) semaphore(%arg10 : memref<!tpu.dma_semaphore, #tpu.memory_space<semaphore_mem>>)
      %dma_start3A_249 = arith.constant 1 : i32
      %dma_start3A_250 = arith.constant 1 : i32
      %dma_start3A_251 = arith.constant 0 : i32
      %dma_start3A_252 = tpu.memref_slice %arg8[%dma_start3A_249, %dma_start3A_251] : memref<2x128xi32, #tpu.memory_space<vmem>> -> memref<1x128xi32, #tpu.memory_space<vmem>>
      %dma_start3A_253 = tpu.memref_squeeze %dma_start3A_252 : memref<1x128xi32, #tpu.memory_space<vmem>> -> memref<128xi32, #tpu.memory_space<vmem>>
      %dma_start3A_254 = arith.constant 0 : i32
      %dma_start3A_255 = tpu.memref_slice %arg6[%dma_start3A_250, %dma_start3A_254] : memref<2x128xi32, #tpu.memory_space<vmem>> -> memref<1x128xi32, #tpu.memory_space<vmem>>
      %dma_start3A_256 = tpu.memref_squeeze %dma_start3A_255 : memref<1x128xi32, #tpu.memory_space<vmem>> -> memref<128xi32, #tpu.memory_space<vmem>>
      %dma_start3A_257 = arith.constant 0 : i32
      %dma_start3A_258 = tpu.memref_slice %arg5[%dma_start3A_257] : memref<100008xi32, #tpu.memory_space<hbm>> -> memref<100008xi32, #tpu.memory_space<hbm>>
      tpu.enqueue_indirect_dma source(%dma_start3A_253 : memref<128xi32, #tpu.memory_space<vmem>>) target(%dma_start3A_258 : memref<100008xi32, #tpu.memory_space<hbm>>) offsets(%dma_start3A_256 : memref<128xi32, #tpu.memory_space<vmem>>) semaphore(%arg11 : memref<!tpu.dma_semaphore, #tpu.memory_space<semaphore_mem>>)
    } else {
    }
    %add3A_12 = arith.constant 0 : i32
    %add3A_13 = arith.addi %add3A, %add3A_12 : i32
    %lt3A_14 = arith.constant 40 : i32
    %lt3A_15 = arith.cmpi slt, %add3A_13, %lt3A_14 : i32
    %convert_element_type3A_16 = arith.extui %lt3A_15 : i1 to i32
    %cond3A_17 = arith.constant 0 : i32
    %cond3A_18 = arith.cmpi ne, %convert_element_type3A_16, %cond3A_17 : i32
    scf.if %cond3A_18 {
      %dma_wait3A = arith.constant 0 : i32
      %dma_wait3A_26 = arith.constant 0 : i32
      %dma_wait3A_27 = arith.constant 0 : i32
      %dma_wait3A_28 = arith.constant 0 : i32
      %dma_wait3A_29 = tpu.memref_slice %arg9[%dma_wait3A_26, %dma_wait3A_27, %dma_wait3A_28] : memref<2x128x128xf32, #tpu.memory_space<vmem>> -> memref<1x128x128xf32, #tpu.memory_space<vmem>>
      %dma_wait3A_30 = tpu.memref_squeeze %dma_wait3A_29 : memref<1x128x128xf32, #tpu.memory_space<vmem>> -> memref<128x128xf32, #tpu.memory_space<vmem>>
      %dma_wait3A_31 = arith.constant 0 : i32
      %dma_wait3A_32 = tpu.memref_slice %arg7[%dma_wait3A, %dma_wait3A_31] : memref<2x128xi32, #tpu.memory_space<vmem>> -> memref<1x128xi32, #tpu.memory_space<vmem>>
      %dma_wait3A_33 = tpu.memref_squeeze %dma_wait3A_32 : memref<1x128xi32, #tpu.memory_space<vmem>> -> memref<128xi32, #tpu.memory_space<vmem>>
      %dma_wait3A_34 = arith.constant 0 : i32
      %dma_wait3A_35 = arith.constant 0 : i32
      %dma_wait3A_36 = tpu.memref_slice %arg2[%dma_wait3A_34, %dma_wait3A_35] : memref<100000x128xf32, #tpu.memory_space<hbm>> -> memref<100000x128xf32, #tpu.memory_space<hbm>>
      tpu.wait_indirect_dma semaphore(%arg10 : memref<!tpu.dma_semaphore, #tpu.memory_space<semaphore_mem>>) src(%dma_wait3A_36 : memref<100000x128xf32, #tpu.memory_space<hbm>>) dst(%dma_wait3A_30 : memref<128x128xf32, #tpu.memory_space<vmem>>)
      %mul3A_37 = arith.constant 128 : i32
      %mul3A_38 = arith.muli %add3A_13, %mul3A_37 : i32
      %run_scoped3A = arith.constant 0 : i32
      "tpu.region"() ({
        %run_scoped3A_49 = tpu.sem_alloc : memref<!tpu.dma_semaphore, #tpu.memory_space<semaphore_mem>>
        %dma_start3A = arith.constant 0 : i32
        %dma_start3A_50 = arith.constant 0 : i32
        %dma_start3A_51 = tpu.memref_slice %arg9[%run_scoped3A, %dma_start3A, %dma_start3A_50] : memref<2x128x128xf32, #tpu.memory_space<vmem>> -> memref<1x128x128xf32, #tpu.memory_space<vmem>>
        %dma_start3A_52 = tpu.memref_squeeze %dma_start3A_51 : memref<1x128x128xf32, #tpu.memory_space<vmem>> -> memref<128x128xf32, #tpu.memory_space<vmem>>
        %dma_start3A_53 = arith.constant 0 : i32
        %dma_start3A_54 = tpu.memref_slice %arg4[%mul3A_38, %dma_start3A_53] : memref<5120x128xf32, #tpu.memory_space<hbm>> -> memref<128x128xf32, #tpu.memory_space<hbm>>
        %dma_start3A_55 = arith.constant 0 : i32
        %dma_start3A_56 = tpu.memref_slice %arg4[%mul3A_38, %dma_start3A_55] : memref<5120x128xf32, #tpu.memory_space<hbm>> -> memref<128x128xf32, #tpu.memory_space<hbm>>
        %dma_start3A_57 = arith.constant 0 : i32
        %dma_start3A_58 = arith.constant 0 : i32
        %dma_start3A_59 = tpu.memref_slice %arg9[%run_scoped3A, %dma_start3A_57, %dma_start3A_58] : memref<2x128x128xf32, #tpu.memory_space<vmem>> -> memref<1x128x128xf32, #tpu.memory_space<vmem>>
        %dma_start3A_60 = tpu.memref_squeeze %dma_start3A_59 : memref<1x128x128xf32, #tpu.memory_space<vmem>> -> memref<128x128xf32, #tpu.memory_space<vmem>>
        tpu.enqueue_dma source(%dma_start3A_60 : memref<128x128xf32, #tpu.memory_space<vmem>>) target(%dma_start3A_56 : memref<128x128xf32, #tpu.memory_space<hbm>>) target_semaphore(%run_scoped3A_49 : memref<!tpu.dma_semaphore, #tpu.memory_space<semaphore_mem>>)
        %dma_wait3A_61 = arith.constant 0 : i32
        %dma_wait3A_62 = arith.constant 0 : i32
        %dma_wait3A_63 = tpu.memref_slice %arg9[%run_scoped3A, %dma_wait3A_61, %dma_wait3A_62] : memref<2x128x128xf32, #tpu.memory_space<vmem>> -> memref<1x128x128xf32, #tpu.memory_space<vmem>>
        %dma_wait3A_64 = tpu.memref_squeeze %dma_wait3A_63 : memref<1x128x128xf32, #tpu.memory_space<vmem>> -> memref<128x128xf32, #tpu.memory_space<vmem>>
        %dma_wait3A_65 = arith.constant 0 : i32
        %dma_wait3A_66 = tpu.memref_slice %arg4[%mul3A_38, %dma_wait3A_65] : memref<5120x128xf32, #tpu.memory_space<hbm>> -> memref<128x128xf32, #tpu.memory_space<hbm>>
        %dma_wait3A_67 = arith.constant 0 : i32
        %dma_wait3A_68 = tpu.memref_slice %arg4[%mul3A_38, %dma_wait3A_67] : memref<5120x128xf32, #tpu.memory_space<hbm>> -> memref<128x128xf32, #tpu.memory_space<hbm>>
        %dma_wait3A_69 = arith.constant 0 : i32
        %dma_wait3A_70 = arith.constant 0 : i32
        %dma_wait3A_71 = tpu.memref_slice %arg9[%run_scoped3A, %dma_wait3A_69, %dma_wait3A_70] : memref<2x128x128xf32, #tpu.memory_space<vmem>> -> memref<1x128x128xf32, #tpu.memory_space<vmem>>
        %dma_wait3A_72 = tpu.memref_squeeze %dma_wait3A_71 : memref<1x128x128xf32, #tpu.memory_space<vmem>> -> memref<128x128xf32, #tpu.memory_space<vmem>>
        tpu.wait_dma2 semaphore(%run_scoped3A_49 : memref<!tpu.dma_semaphore, #tpu.memory_space<semaphore_mem>>) src(%dma_wait3A_72 : memref<128x128xf32, #tpu.memory_space<vmem>>) dst(%dma_wait3A_68 : memref<128x128xf32, #tpu.memory_space<hbm>>)
        tpu.yield
      }) : () -> ()
      %dma_wait3A_39 = arith.constant 0 : i32
      %dma_wait3A_40 = arith.constant 0 : i32
      %dma_wait3A_41 = arith.constant 0 : i32
      %dma_wait3A_42 = tpu.memref_slice %arg8[%dma_wait3A_39, %dma_wait3A_41] : memref<2x128xi32, #tpu.memory_space<vmem>> -> memref<1x128xi32, #tpu.memory_space<vmem>>
      %dma_wait3A_43 = tpu.memref_squeeze %dma_wait3A_42 : memref<1x128xi32, #tpu.memory_space<vmem>> -> memref<128xi32, #tpu.memory_space<vmem>>
      %dma_wait3A_44 = arith.constant 0 : i32
      %dma_wait3A_45 = tpu.memref_slice %arg6[%dma_wait3A_40, %dma_wait3A_44] : memref<2x128xi32, #tpu.memory_space<vmem>> -> memref<1x128xi32, #tpu.memory_space<vmem>>
      %dma_wait3A_46 = tpu.memref_squeeze %dma_wait3A_45 : memref<1x128xi32, #tpu.memory_space<vmem>> -> memref<128xi32, #tpu.memory_space<vmem>>
      %dma_wait3A_47 = arith.constant 0 : i32
      %dma_wait3A_48 = tpu.memref_slice %arg5[%dma_wait3A_47] : memref<100008xi32, #tpu.memory_space<hbm>> -> memref<100008xi32, #tpu.memory_space<hbm>>
      tpu.wait_indirect_dma semaphore(%arg11 : memref<!tpu.dma_semaphore, #tpu.memory_space<semaphore_mem>>) src(%dma_wait3A_43 : memref<128xi32, #tpu.memory_space<vmem>>) dst(%dma_wait3A_48 : memref<100008xi32, #tpu.memory_space<hbm>>)
    } else {
    }
    %add3A_19 = arith.constant 32 : i32
    %add3A_20 = arith.addi %add3A, %add3A_19 : i32
    %lt3A_21 = arith.constant 40 : i32
    %lt3A_22 = arith.cmpi slt, %add3A_20, %lt3A_21 : i32
    %convert_element_type3A_23 = arith.extui %lt3A_22 : i1 to i32
    %cond3A_24 = arith.constant 0 : i32
    %cond3A_25 = arith.cmpi ne, %convert_element_type3A_23, %cond3A_24 : i32
    scf.if %cond3A_25 {
      %dma_wait3A = arith.constant 1 : i32
      %dma_wait3A_26 = arith.constant 1 : i32
      %dma_wait3A_27 = arith.constant 0 : i32
      %dma_wait3A_28 = arith.constant 0 : i32
      %dma_wait3A_29 = tpu.memref_slice %arg9[%dma_wait3A_26, %dma_wait3A_27, %dma_wait3A_28] : memref<2x128x128xf32, #tpu.memory_space<vmem>> -> memref<1x128x128xf32, #tpu.memory_space<vmem>>
      %dma_wait3A_30 = tpu.memref_squeeze %dma_wait3A_29 : memref<1x128x128xf32, #tpu.memory_space<vmem>> -> memref<128x128xf32, #tpu.memory_space<vmem>>
      %dma_wait3A_31 = arith.constant 0 : i32
      %dma_wait3A_32 = tpu.memref_slice %arg7[%dma_wait3A, %dma_wait3A_31] : memref<2x128xi32, #tpu.memory_space<vmem>> -> memref<1x128xi32, #tpu.memory_space<vmem>>
      %dma_wait3A_33 = tpu.memref_squeeze %dma_wait3A_32 : memref<1x128xi32, #tpu.memory_space<vmem>> -> memref<128xi32, #tpu.memory_space<vmem>>
      %dma_wait3A_34 = arith.constant 0 : i32
      %dma_wait3A_35 = arith.constant 0 : i32
      %dma_wait3A_36 = tpu.memref_slice %arg2[%dma_wait3A_34, %dma_wait3A_35] : memref<100000x128xf32, #tpu.memory_space<hbm>> -> memref<100000x128xf32, #tpu.memory_space<hbm>>
      tpu.wait_indirect_dma semaphore(%arg10 : memref<!tpu.dma_semaphore, #tpu.memory_space<semaphore_mem>>) src(%dma_wait3A_36 : memref<100000x128xf32, #tpu.memory_space<hbm>>) dst(%dma_wait3A_30 : memref<128x128xf32, #tpu.memory_space<vmem>>)
      %mul3A_37 = arith.constant 128 : i32
      %mul3A_38 = arith.muli %add3A_20, %mul3A_37 : i32
      %run_scoped3A = arith.constant 1 : i32
      "tpu.region"() ({
        %run_scoped3A_49 = tpu.sem_alloc : memref<!tpu.dma_semaphore, #tpu.memory_space<semaphore_mem>>
        %dma_start3A = arith.constant 0 : i32
        %dma_start3A_50 = arith.constant 0 : i32
        %dma_start3A_51 = tpu.memref_slice %arg9[%run_scoped3A, %dma_start3A, %dma_start3A_50] : memref<2x128x128xf32, #tpu.memory_space<vmem>> -> memref<1x128x128xf32, #tpu.memory_space<vmem>>
        %dma_start3A_52 = tpu.memref_squeeze %dma_start3A_51 : memref<1x128x128xf32, #tpu.memory_space<vmem>> -> memref<128x128xf32, #tpu.memory_space<vmem>>
        %dma_start3A_53 = arith.constant 0 : i32
        %dma_start3A_54 = tpu.memref_slice %arg4[%mul3A_38, %dma_start3A_53] : memref<5120x128xf32, #tpu.memory_space<hbm>> -> memref<128x128xf32, #tpu.memory_space<hbm>>
        %dma_start3A_55 = arith.constant 0 : i32
        %dma_start3A_56 = tpu.memref_slice %arg4[%mul3A_38, %dma_start3A_55] : memref<5120x128xf32, #tpu.memory_space<hbm>> -> memref<128x128xf32, #tpu.memory_space<hbm>>
        %dma_start3A_57 = arith.constant 0 : i32
        %dma_start3A_58 = arith.constant 0 : i32
        %dma_start3A_59 = tpu.memref_slice %arg9[%run_scoped3A, %dma_start3A_57, %dma_start3A_58] : memref<2x128x128xf32, #tpu.memory_space<vmem>> -> memref<1x128x128xf32, #tpu.memory_space<vmem>>
        %dma_start3A_60 = tpu.memref_squeeze %dma_start3A_59 : memref<1x128x128xf32, #tpu.memory_space<vmem>> -> memref<128x128xf32, #tpu.memory_space<vmem>>
        tpu.enqueue_dma source(%dma_start3A_60 : memref<128x128xf32, #tpu.memory_space<vmem>>) target(%dma_start3A_56 : memref<128x128xf32, #tpu.memory_space<hbm>>) target_semaphore(%run_scoped3A_49 : memref<!tpu.dma_semaphore, #tpu.memory_space<semaphore_mem>>)
        %dma_wait3A_61 = arith.constant 0 : i32
        %dma_wait3A_62 = arith.constant 0 : i32
        %dma_wait3A_63 = tpu.memref_slice %arg9[%run_scoped3A, %dma_wait3A_61, %dma_wait3A_62] : memref<2x128x128xf32, #tpu.memory_space<vmem>> -> memref<1x128x128xf32, #tpu.memory_space<vmem>>
        %dma_wait3A_64 = tpu.memref_squeeze %dma_wait3A_63 : memref<1x128x128xf32, #tpu.memory_space<vmem>> -> memref<128x128xf32, #tpu.memory_space<vmem>>
        %dma_wait3A_65 = arith.constant 0 : i32
        %dma_wait3A_66 = tpu.memref_slice %arg4[%mul3A_38, %dma_wait3A_65] : memref<5120x128xf32, #tpu.memory_space<hbm>> -> memref<128x128xf32, #tpu.memory_space<hbm>>
        %dma_wait3A_67 = arith.constant 0 : i32
        %dma_wait3A_68 = tpu.memref_slice %arg4[%mul3A_38, %dma_wait3A_67] : memref<5120x128xf32, #tpu.memory_space<hbm>> -> memref<128x128xf32, #tpu.memory_space<hbm>>
        %dma_wait3A_69 = arith.constant 0 : i32
        %dma_wait3A_70 = arith.constant 0 : i32
        %dma_wait3A_71 = tpu.memref_slice %arg9[%run_scoped3A, %dma_wait3A_69, %dma_wait3A_70] : memref<2x128x128xf32, #tpu.memory_space<vmem>> -> memref<1x128x128xf32, #tpu.memory_space<vmem>>
        %dma_wait3A_72 = tpu.memref_squeeze %dma_wait3A_71 : memref<1x128x128xf32, #tpu.memory_space<vmem>> -> memref<128x128xf32, #tpu.memory_space<vmem>>
        tpu.wait_dma2 semaphore(%run_scoped3A_49 : memref<!tpu.dma_semaphore, #tpu.memory_space<semaphore_mem>>) src(%dma_wait3A_72 : memref<128x128xf32, #tpu.memory_space<vmem>>) dst(%dma_wait3A_68 : memref<128x128xf32, #tpu.memory_space<hbm>>)
        tpu.yield
      }) : () -> ()
      %dma_wait3A_39 = arith.constant 1 : i32
      %dma_wait3A_40 = arith.constant 1 : i32
      %dma_wait3A_41 = arith.constant 0 : i32
      %dma_wait3A_42 = tpu.memref_slice %arg8[%dma_wait3A_39, %dma_wait3A_41] : memref<2x128xi32, #tpu.memory_space<vmem>> -> memref<1x128xi32, #tpu.memory_space<vmem>>
      %dma_wait3A_43 = tpu.memref_squeeze %dma_wait3A_42 : memref<1x128xi32, #tpu.memory_space<vmem>> -> memref<128xi32, #tpu.memory_space<vmem>>
      %dma_wait3A_44 = arith.constant 0 : i32
      %dma_wait3A_45 = tpu.memref_slice %arg6[%dma_wait3A_40, %dma_wait3A_44] : memref<2x128xi32, #tpu.memory_space<vmem>> -> memref<1x128xi32, #tpu.memory_space<vmem>>
      %dma_wait3A_46 = tpu.memref_squeeze %dma_wait3A_45 : memref<1x128xi32, #tpu.memory_space<vmem>> -> memref<128xi32, #tpu.memory_space<vmem>>
      %dma_wait3A_47 = arith.constant 0 : i32
      %dma_wait3A_48 = tpu.memref_slice %arg5[%dma_wait3A_47] : memref<100008xi32, #tpu.memory_space<hbm>> -> memref<100008xi32, #tpu.memory_space<hbm>>
      tpu.wait_indirect_dma semaphore(%arg11 : memref<!tpu.dma_semaphore, #tpu.memory_space<semaphore_mem>>) src(%dma_wait3A_43 : memref<128xi32, #tpu.memory_space<vmem>>) dst(%dma_wait3A_48 : memref<100008xi32, #tpu.memory_space<hbm>>)
    } else {
    }
    return
  }
}

#map = affine_map<(d0, d1) -> (0)>
#map1 = affine_map<(d0, d1) -> (0, 0)>
module attributes {stable_mosaic.version = 14 : i64} {
  func.func @_sc_flags_body(%arg0: i32, %arg1: i32, %arg2: memref<100008xi32, #tpu.memory_space<hbm>>, %arg3: memref<40x128xi32, #tpu.memory_space<hbm>>, %arg4: memref<40x128xi32, #tpu.memory_space<hbm>>, %arg5: memref<2x128xi32, #tpu.memory_space<vmem>>, %arg6: memref<2x128xi32, #tpu.memory_space<vmem>>, %arg7: memref<!tpu.dma_semaphore, #tpu.memory_space<semaphore_mem>>) attributes {dimension_semantics = [#tpu.dimension_semantics<core_parallel>, #tpu.dimension_semantics<subcore_parallel>], iteration_bounds = array<i64: 2, 16>, scalar_prefetch = 0 : i64, scratch_operands = 3 : i64, tpu.core_type = #tpu.core_type<sc_vector_subcore>, window_params = [{transform_indices = #map}, {transform_indices = #map1}, {transform_indices = #map1}]} {
    %mul3A = arith.constant 2 : i32
    %mul3A_0 = arith.muli %arg1, %mul3A : i32
    %add3A = arith.addi %mul3A_0, %arg0 : i32
    %add3A_1 = arith.constant 0 : i32
    %add3A_2 = arith.addi %add3A, %add3A_1 : i32
    %lt3A = arith.constant 40 : i32
    %lt3A_3 = arith.cmpi slt, %add3A_2, %lt3A : i32
    %convert_element_type3A = arith.extui %lt3A_3 : i1 to i32
    %cond3A = arith.constant 0 : i32
    %cond3A_4 = arith.cmpi ne, %convert_element_type3A, %cond3A : i32
    scf.if %cond3A_4 {
      %run_scoped3A = arith.constant 0 : i32
      "tpu.region"() ({
        %run_scoped3A_35 = tpu.sem_alloc : memref<!tpu.dma_semaphore, #tpu.memory_space<semaphore_mem>>
        %dma_start3A_36 = arith.constant 0 : i32
        %dma_start3A_37 = tpu.memref_slice %arg5[%run_scoped3A, %dma_start3A_36] : memref<2x128xi32, #tpu.memory_space<vmem>> -> memref<1x128xi32, #tpu.memory_space<vmem>>
        %dma_start3A_38 = tpu.memref_squeeze %dma_start3A_37 : memref<1x128xi32, #tpu.memory_space<vmem>> -> memref<128xi32, #tpu.memory_space<vmem>>
        %dma_start3A_39 = arith.constant 0 : i32
        %dma_start3A_40 = tpu.memref_slice %arg3[%add3A_2, %dma_start3A_39] : memref<40x128xi32, #tpu.memory_space<hbm>> -> memref<1x128xi32, #tpu.memory_space<hbm>>
        %dma_start3A_41 = tpu.memref_squeeze %dma_start3A_40 : memref<1x128xi32, #tpu.memory_space<hbm>> -> memref<128xi32, #tpu.memory_space<hbm>>
        %dma_start3A_42 = arith.constant 0 : i32
        %dma_start3A_43 = tpu.memref_slice %arg5[%run_scoped3A, %dma_start3A_42] : memref<2x128xi32, #tpu.memory_space<vmem>> -> memref<1x128xi32, #tpu.memory_space<vmem>>
        %dma_start3A_44 = tpu.memref_squeeze %dma_start3A_43 : memref<1x128xi32, #tpu.memory_space<vmem>> -> memref<128xi32, #tpu.memory_space<vmem>>
        %dma_start3A_45 = arith.constant 0 : i32
        %dma_start3A_46 = tpu.memref_slice %arg3[%add3A_2, %dma_start3A_45] : memref<40x128xi32, #tpu.memory_space<hbm>> -> memref<1x128xi32, #tpu.memory_space<hbm>>
        %dma_start3A_47 = tpu.memref_squeeze %dma_start3A_46 : memref<1x128xi32, #tpu.memory_space<hbm>> -> memref<128xi32, #tpu.memory_space<hbm>>
        tpu.enqueue_dma source(%dma_start3A_47 : memref<128xi32, #tpu.memory_space<hbm>>) target(%dma_start3A_44 : memref<128xi32, #tpu.memory_space<vmem>>) target_semaphore(%run_scoped3A_35 : memref<!tpu.dma_semaphore, #tpu.memory_space<semaphore_mem>>)
        %dma_wait3A = arith.constant 0 : i32
        %dma_wait3A_48 = tpu.memref_slice %arg5[%run_scoped3A, %dma_wait3A] : memref<2x128xi32, #tpu.memory_space<vmem>> -> memref<1x128xi32, #tpu.memory_space<vmem>>
        %dma_wait3A_49 = tpu.memref_squeeze %dma_wait3A_48 : memref<1x128xi32, #tpu.memory_space<vmem>> -> memref<128xi32, #tpu.memory_space<vmem>>
        %dma_wait3A_50 = arith.constant 0 : i32
        %dma_wait3A_51 = tpu.memref_slice %arg3[%add3A_2, %dma_wait3A_50] : memref<40x128xi32, #tpu.memory_space<hbm>> -> memref<1x128xi32, #tpu.memory_space<hbm>>
        %dma_wait3A_52 = tpu.memref_squeeze %dma_wait3A_51 : memref<1x128xi32, #tpu.memory_space<hbm>> -> memref<128xi32, #tpu.memory_space<hbm>>
        %dma_wait3A_53 = arith.constant 0 : i32
        %dma_wait3A_54 = tpu.memref_slice %arg5[%run_scoped3A, %dma_wait3A_53] : memref<2x128xi32, #tpu.memory_space<vmem>> -> memref<1x128xi32, #tpu.memory_space<vmem>>
        %dma_wait3A_55 = tpu.memref_squeeze %dma_wait3A_54 : memref<1x128xi32, #tpu.memory_space<vmem>> -> memref<128xi32, #tpu.memory_space<vmem>>
        %dma_wait3A_56 = arith.constant 0 : i32
        %dma_wait3A_57 = tpu.memref_slice %arg3[%add3A_2, %dma_wait3A_56] : memref<40x128xi32, #tpu.memory_space<hbm>> -> memref<1x128xi32, #tpu.memory_space<hbm>>
        %dma_wait3A_58 = tpu.memref_squeeze %dma_wait3A_57 : memref<1x128xi32, #tpu.memory_space<hbm>> -> memref<128xi32, #tpu.memory_space<hbm>>
        tpu.wait_dma2 semaphore(%run_scoped3A_35 : memref<!tpu.dma_semaphore, #tpu.memory_space<semaphore_mem>>) src(%dma_wait3A_58 : memref<128xi32, #tpu.memory_space<hbm>>) dst(%dma_wait3A_55 : memref<128xi32, #tpu.memory_space<vmem>>)
        tpu.yield
      }) : () -> ()
      %dma_start3A = arith.constant 0 : i32
      %dma_start3A_26 = arith.constant 0 : i32
      %dma_start3A_27 = arith.constant 0 : i32
      %dma_start3A_28 = tpu.memref_slice %arg6[%dma_start3A_26, %dma_start3A_27] : memref<2x128xi32, #tpu.memory_space<vmem>> -> memref<1x128xi32, #tpu.memory_space<vmem>>
      %dma_start3A_29 = tpu.memref_squeeze %dma_start3A_28 : memref<1x128xi32, #tpu.memory_space<vmem>> -> memref<128xi32, #tpu.memory_space<vmem>>
      %dma_start3A_30 = arith.constant 0 : i32
      %dma_start3A_31 = tpu.memref_slice %arg5[%dma_start3A, %dma_start3A_30] : memref<2x128xi32, #tpu.memory_space<vmem>> -> memref<1x128xi32, #tpu.memory_space<vmem>>
      %dma_start3A_32 = tpu.memref_squeeze %dma_start3A_31 : memref<1x128xi32, #tpu.memory_space<vmem>> -> memref<128xi32, #tpu.memory_space<vmem>>
      %dma_start3A_33 = arith.constant 0 : i32
      %dma_start3A_34 = tpu.memref_slice %arg2[%dma_start3A_33] : memref<100008xi32, #tpu.memory_space<hbm>> -> memref<100008xi32, #tpu.memory_space<hbm>>
      tpu.enqueue_indirect_dma source(%dma_start3A_34 : memref<100008xi32, #tpu.memory_space<hbm>>) target(%dma_start3A_29 : memref<128xi32, #tpu.memory_space<vmem>>) offsets(%dma_start3A_32 : memref<128xi32, #tpu.memory_space<vmem>>) semaphore(%arg7 : memref<!tpu.dma_semaphore, #tpu.memory_space<semaphore_mem>>)
    } else {
    }
    %add3A_5 = arith.constant 32 : i32
    %add3A_6 = arith.addi %add3A, %add3A_5 : i32
    %lt3A_7 = arith.constant 40 : i32
    %lt3A_8 = arith.cmpi slt, %add3A_6, %lt3A_7 : i32
    %convert_element_type3A_9 = arith.extui %lt3A_8 : i1 to i32
    %cond3A_10 = arith.constant 0 : i32
    %cond3A_11 = arith.cmpi ne, %convert_element_type3A_9, %cond3A_10 : i32
    scf.if %cond3A_11 {
      %run_scoped3A = arith.constant 1 : i32
      "tpu.region"() ({
        %run_scoped3A_35 = tpu.sem_alloc : memref<!tpu.dma_semaphore, #tpu.memory_space<semaphore_mem>>
        %dma_start3A_36 = arith.constant 0 : i32
        %dma_start3A_37 = tpu.memref_slice %arg5[%run_scoped3A, %dma_start3A_36] : memref<2x128xi32, #tpu.memory_space<vmem>> -> memref<1x128xi32, #tpu.memory_space<vmem>>
        %dma_start3A_38 = tpu.memref_squeeze %dma_start3A_37 : memref<1x128xi32, #tpu.memory_space<vmem>> -> memref<128xi32, #tpu.memory_space<vmem>>
        %dma_start3A_39 = arith.constant 0 : i32
        %dma_start3A_40 = tpu.memref_slice %arg3[%add3A_6, %dma_start3A_39] : memref<40x128xi32, #tpu.memory_space<hbm>> -> memref<1x128xi32, #tpu.memory_space<hbm>>
        %dma_start3A_41 = tpu.memref_squeeze %dma_start3A_40 : memref<1x128xi32, #tpu.memory_space<hbm>> -> memref<128xi32, #tpu.memory_space<hbm>>
        %dma_start3A_42 = arith.constant 0 : i32
        %dma_start3A_43 = tpu.memref_slice %arg5[%run_scoped3A, %dma_start3A_42] : memref<2x128xi32, #tpu.memory_space<vmem>> -> memref<1x128xi32, #tpu.memory_space<vmem>>
        %dma_start3A_44 = tpu.memref_squeeze %dma_start3A_43 : memref<1x128xi32, #tpu.memory_space<vmem>> -> memref<128xi32, #tpu.memory_space<vmem>>
        %dma_start3A_45 = arith.constant 0 : i32
        %dma_start3A_46 = tpu.memref_slice %arg3[%add3A_6, %dma_start3A_45] : memref<40x128xi32, #tpu.memory_space<hbm>> -> memref<1x128xi32, #tpu.memory_space<hbm>>
        %dma_start3A_47 = tpu.memref_squeeze %dma_start3A_46 : memref<1x128xi32, #tpu.memory_space<hbm>> -> memref<128xi32, #tpu.memory_space<hbm>>
        tpu.enqueue_dma source(%dma_start3A_47 : memref<128xi32, #tpu.memory_space<hbm>>) target(%dma_start3A_44 : memref<128xi32, #tpu.memory_space<vmem>>) target_semaphore(%run_scoped3A_35 : memref<!tpu.dma_semaphore, #tpu.memory_space<semaphore_mem>>)
        %dma_wait3A = arith.constant 0 : i32
        %dma_wait3A_48 = tpu.memref_slice %arg5[%run_scoped3A, %dma_wait3A] : memref<2x128xi32, #tpu.memory_space<vmem>> -> memref<1x128xi32, #tpu.memory_space<vmem>>
        %dma_wait3A_49 = tpu.memref_squeeze %dma_wait3A_48 : memref<1x128xi32, #tpu.memory_space<vmem>> -> memref<128xi32, #tpu.memory_space<vmem>>
        %dma_wait3A_50 = arith.constant 0 : i32
        %dma_wait3A_51 = tpu.memref_slice %arg3[%add3A_6, %dma_wait3A_50] : memref<40x128xi32, #tpu.memory_space<hbm>> -> memref<1x128xi32, #tpu.memory_space<hbm>>
        %dma_wait3A_52 = tpu.memref_squeeze %dma_wait3A_51 : memref<1x128xi32, #tpu.memory_space<hbm>> -> memref<128xi32, #tpu.memory_space<hbm>>
        %dma_wait3A_53 = arith.constant 0 : i32
        %dma_wait3A_54 = tpu.memref_slice %arg5[%run_scoped3A, %dma_wait3A_53] : memref<2x128xi32, #tpu.memory_space<vmem>> -> memref<1x128xi32, #tpu.memory_space<vmem>>
        %dma_wait3A_55 = tpu.memref_squeeze %dma_wait3A_54 : memref<1x128xi32, #tpu.memory_space<vmem>> -> memref<128xi32, #tpu.memory_space<vmem>>
        %dma_wait3A_56 = arith.constant 0 : i32
        %dma_wait3A_57 = tpu.memref_slice %arg3[%add3A_6, %dma_wait3A_56] : memref<40x128xi32, #tpu.memory_space<hbm>> -> memref<1x128xi32, #tpu.memory_space<hbm>>
        %dma_wait3A_58 = tpu.memref_squeeze %dma_wait3A_57 : memref<1x128xi32, #tpu.memory_space<hbm>> -> memref<128xi32, #tpu.memory_space<hbm>>
        tpu.wait_dma2 semaphore(%run_scoped3A_35 : memref<!tpu.dma_semaphore, #tpu.memory_space<semaphore_mem>>) src(%dma_wait3A_58 : memref<128xi32, #tpu.memory_space<hbm>>) dst(%dma_wait3A_55 : memref<128xi32, #tpu.memory_space<vmem>>)
        tpu.yield
      }) : () -> ()
      %dma_start3A = arith.constant 1 : i32
      %dma_start3A_26 = arith.constant 1 : i32
      %dma_start3A_27 = arith.constant 0 : i32
      %dma_start3A_28 = tpu.memref_slice %arg6[%dma_start3A_26, %dma_start3A_27] : memref<2x128xi32, #tpu.memory_space<vmem>> -> memref<1x128xi32, #tpu.memory_space<vmem>>
      %dma_start3A_29 = tpu.memref_squeeze %dma_start3A_28 : memref<1x128xi32, #tpu.memory_space<vmem>> -> memref<128xi32, #tpu.memory_space<vmem>>
      %dma_start3A_30 = arith.constant 0 : i32
      %dma_start3A_31 = tpu.memref_slice %arg5[%dma_start3A, %dma_start3A_30] : memref<2x128xi32, #tpu.memory_space<vmem>> -> memref<1x128xi32, #tpu.memory_space<vmem>>
      %dma_start3A_32 = tpu.memref_squeeze %dma_start3A_31 : memref<1x128xi32, #tpu.memory_space<vmem>> -> memref<128xi32, #tpu.memory_space<vmem>>
      %dma_start3A_33 = arith.constant 0 : i32
      %dma_start3A_34 = tpu.memref_slice %arg2[%dma_start3A_33] : memref<100008xi32, #tpu.memory_space<hbm>> -> memref<100008xi32, #tpu.memory_space<hbm>>
      tpu.enqueue_indirect_dma source(%dma_start3A_34 : memref<100008xi32, #tpu.memory_space<hbm>>) target(%dma_start3A_29 : memref<128xi32, #tpu.memory_space<vmem>>) offsets(%dma_start3A_32 : memref<128xi32, #tpu.memory_space<vmem>>) semaphore(%arg7 : memref<!tpu.dma_semaphore, #tpu.memory_space<semaphore_mem>>)
    } else {
    }
    %add3A_12 = arith.constant 0 : i32
    %add3A_13 = arith.addi %add3A, %add3A_12 : i32
    %lt3A_14 = arith.constant 40 : i32
    %lt3A_15 = arith.cmpi slt, %add3A_13, %lt3A_14 : i32
    %convert_element_type3A_16 = arith.extui %lt3A_15 : i1 to i32
    %cond3A_17 = arith.constant 0 : i32
    %cond3A_18 = arith.cmpi ne, %convert_element_type3A_16, %cond3A_17 : i32
    scf.if %cond3A_18 {
      %dma_wait3A = arith.constant 0 : i32
      %dma_wait3A_26 = arith.constant 0 : i32
      %dma_wait3A_27 = arith.constant 0 : i32
      %dma_wait3A_28 = tpu.memref_slice %arg6[%dma_wait3A_26, %dma_wait3A_27] : memref<2x128xi32, #tpu.memory_space<vmem>> -> memref<1x128xi32, #tpu.memory_space<vmem>>
      %dma_wait3A_29 = tpu.memref_squeeze %dma_wait3A_28 : memref<1x128xi32, #tpu.memory_space<vmem>> -> memref<128xi32, #tpu.memory_space<vmem>>
      %dma_wait3A_30 = arith.constant 0 : i32
      %dma_wait3A_31 = tpu.memref_slice %arg5[%dma_wait3A, %dma_wait3A_30] : memref<2x128xi32, #tpu.memory_space<vmem>> -> memref<1x128xi32, #tpu.memory_space<vmem>>
      %dma_wait3A_32 = tpu.memref_squeeze %dma_wait3A_31 : memref<1x128xi32, #tpu.memory_space<vmem>> -> memref<128xi32, #tpu.memory_space<vmem>>
      %dma_wait3A_33 = arith.constant 0 : i32
      %dma_wait3A_34 = tpu.memref_slice %arg2[%dma_wait3A_33] : memref<100008xi32, #tpu.memory_space<hbm>> -> memref<100008xi32, #tpu.memory_space<hbm>>
      tpu.wait_indirect_dma semaphore(%arg7 : memref<!tpu.dma_semaphore, #tpu.memory_space<semaphore_mem>>) src(%dma_wait3A_34 : memref<100008xi32, #tpu.memory_space<hbm>>) dst(%dma_wait3A_29 : memref<128xi32, #tpu.memory_space<vmem>>)
      %run_scoped3A = arith.constant 0 : i32
      "tpu.region"() ({
        %run_scoped3A_35 = tpu.sem_alloc : memref<!tpu.dma_semaphore, #tpu.memory_space<semaphore_mem>>
        %dma_start3A = arith.constant 0 : i32
        %dma_start3A_36 = tpu.memref_slice %arg6[%run_scoped3A, %dma_start3A] : memref<2x128xi32, #tpu.memory_space<vmem>> -> memref<1x128xi32, #tpu.memory_space<vmem>>
        %dma_start3A_37 = tpu.memref_squeeze %dma_start3A_36 : memref<1x128xi32, #tpu.memory_space<vmem>> -> memref<128xi32, #tpu.memory_space<vmem>>
        %dma_start3A_38 = arith.constant 0 : i32
        %dma_start3A_39 = tpu.memref_slice %arg4[%add3A_13, %dma_start3A_38] : memref<40x128xi32, #tpu.memory_space<hbm>> -> memref<1x128xi32, #tpu.memory_space<hbm>>
        %dma_start3A_40 = tpu.memref_squeeze %dma_start3A_39 : memref<1x128xi32, #tpu.memory_space<hbm>> -> memref<128xi32, #tpu.memory_space<hbm>>
        %dma_start3A_41 = arith.constant 0 : i32
        %dma_start3A_42 = tpu.memref_slice %arg4[%add3A_13, %dma_start3A_41] : memref<40x128xi32, #tpu.memory_space<hbm>> -> memref<1x128xi32, #tpu.memory_space<hbm>>
        %dma_start3A_43 = tpu.memref_squeeze %dma_start3A_42 : memref<1x128xi32, #tpu.memory_space<hbm>> -> memref<128xi32, #tpu.memory_space<hbm>>
        %dma_start3A_44 = arith.constant 0 : i32
        %dma_start3A_45 = tpu.memref_slice %arg6[%run_scoped3A, %dma_start3A_44] : memref<2x128xi32, #tpu.memory_space<vmem>> -> memref<1x128xi32, #tpu.memory_space<vmem>>
        %dma_start3A_46 = tpu.memref_squeeze %dma_start3A_45 : memref<1x128xi32, #tpu.memory_space<vmem>> -> memref<128xi32, #tpu.memory_space<vmem>>
        tpu.enqueue_dma source(%dma_start3A_46 : memref<128xi32, #tpu.memory_space<vmem>>) target(%dma_start3A_43 : memref<128xi32, #tpu.memory_space<hbm>>) target_semaphore(%run_scoped3A_35 : memref<!tpu.dma_semaphore, #tpu.memory_space<semaphore_mem>>)
        %dma_wait3A_47 = arith.constant 0 : i32
        %dma_wait3A_48 = tpu.memref_slice %arg6[%run_scoped3A, %dma_wait3A_47] : memref<2x128xi32, #tpu.memory_space<vmem>> -> memref<1x128xi32, #tpu.memory_space<vmem>>
        %dma_wait3A_49 = tpu.memref_squeeze %dma_wait3A_48 : memref<1x128xi32, #tpu.memory_space<vmem>> -> memref<128xi32, #tpu.memory_space<vmem>>
        %dma_wait3A_50 = arith.constant 0 : i32
        %dma_wait3A_51 = tpu.memref_slice %arg4[%add3A_13, %dma_wait3A_50] : memref<40x128xi32, #tpu.memory_space<hbm>> -> memref<1x128xi32, #tpu.memory_space<hbm>>
        %dma_wait3A_52 = tpu.memref_squeeze %dma_wait3A_51 : memref<1x128xi32, #tpu.memory_space<hbm>> -> memref<128xi32, #tpu.memory_space<hbm>>
        %dma_wait3A_53 = arith.constant 0 : i32
        %dma_wait3A_54 = tpu.memref_slice %arg4[%add3A_13, %dma_wait3A_53] : memref<40x128xi32, #tpu.memory_space<hbm>> -> memref<1x128xi32, #tpu.memory_space<hbm>>
        %dma_wait3A_55 = tpu.memref_squeeze %dma_wait3A_54 : memref<1x128xi32, #tpu.memory_space<hbm>> -> memref<128xi32, #tpu.memory_space<hbm>>
        %dma_wait3A_56 = arith.constant 0 : i32
        %dma_wait3A_57 = tpu.memref_slice %arg6[%run_scoped3A, %dma_wait3A_56] : memref<2x128xi32, #tpu.memory_space<vmem>> -> memref<1x128xi32, #tpu.memory_space<vmem>>
        %dma_wait3A_58 = tpu.memref_squeeze %dma_wait3A_57 : memref<1x128xi32, #tpu.memory_space<vmem>> -> memref<128xi32, #tpu.memory_space<vmem>>
        tpu.wait_dma2 semaphore(%run_scoped3A_35 : memref<!tpu.dma_semaphore, #tpu.memory_space<semaphore_mem>>) src(%dma_wait3A_58 : memref<128xi32, #tpu.memory_space<vmem>>) dst(%dma_wait3A_55 : memref<128xi32, #tpu.memory_space<hbm>>)
        tpu.yield
      }) : () -> ()
    } else {
    }
    %add3A_19 = arith.constant 32 : i32
    %add3A_20 = arith.addi %add3A, %add3A_19 : i32
    %lt3A_21 = arith.constant 40 : i32
    %lt3A_22 = arith.cmpi slt, %add3A_20, %lt3A_21 : i32
    %convert_element_type3A_23 = arith.extui %lt3A_22 : i1 to i32
    %cond3A_24 = arith.constant 0 : i32
    %cond3A_25 = arith.cmpi ne, %convert_element_type3A_23, %cond3A_24 : i32
    scf.if %cond3A_25 {
      %dma_wait3A = arith.constant 1 : i32
      %dma_wait3A_26 = arith.constant 1 : i32
      %dma_wait3A_27 = arith.constant 0 : i32
      %dma_wait3A_28 = tpu.memref_slice %arg6[%dma_wait3A_26, %dma_wait3A_27] : memref<2x128xi32, #tpu.memory_space<vmem>> -> memref<1x128xi32, #tpu.memory_space<vmem>>
      %dma_wait3A_29 = tpu.memref_squeeze %dma_wait3A_28 : memref<1x128xi32, #tpu.memory_space<vmem>> -> memref<128xi32, #tpu.memory_space<vmem>>
      %dma_wait3A_30 = arith.constant 0 : i32
      %dma_wait3A_31 = tpu.memref_slice %arg5[%dma_wait3A, %dma_wait3A_30] : memref<2x128xi32, #tpu.memory_space<vmem>> -> memref<1x128xi32, #tpu.memory_space<vmem>>
      %dma_wait3A_32 = tpu.memref_squeeze %dma_wait3A_31 : memref<1x128xi32, #tpu.memory_space<vmem>> -> memref<128xi32, #tpu.memory_space<vmem>>
      %dma_wait3A_33 = arith.constant 0 : i32
      %dma_wait3A_34 = tpu.memref_slice %arg2[%dma_wait3A_33] : memref<100008xi32, #tpu.memory_space<hbm>> -> memref<100008xi32, #tpu.memory_space<hbm>>
      tpu.wait_indirect_dma semaphore(%arg7 : memref<!tpu.dma_semaphore, #tpu.memory_space<semaphore_mem>>) src(%dma_wait3A_34 : memref<100008xi32, #tpu.memory_space<hbm>>) dst(%dma_wait3A_29 : memref<128xi32, #tpu.memory_space<vmem>>)
      %run_scoped3A = arith.constant 1 : i32
      "tpu.region"() ({
        %run_scoped3A_35 = tpu.sem_alloc : memref<!tpu.dma_semaphore, #tpu.memory_space<semaphore_mem>>
        %dma_start3A = arith.constant 0 : i32
        %dma_start3A_36 = tpu.memref_slice %arg6[%run_scoped3A, %dma_start3A] : memref<2x128xi32, #tpu.memory_space<vmem>> -> memref<1x128xi32, #tpu.memory_space<vmem>>
        %dma_start3A_37 = tpu.memref_squeeze %dma_start3A_36 : memref<1x128xi32, #tpu.memory_space<vmem>> -> memref<128xi32, #tpu.memory_space<vmem>>
        %dma_start3A_38 = arith.constant 0 : i32
        %dma_start3A_39 = tpu.memref_slice %arg4[%add3A_20, %dma_start3A_38] : memref<40x128xi32, #tpu.memory_space<hbm>> -> memref<1x128xi32, #tpu.memory_space<hbm>>
        %dma_start3A_40 = tpu.memref_squeeze %dma_start3A_39 : memref<1x128xi32, #tpu.memory_space<hbm>> -> memref<128xi32, #tpu.memory_space<hbm>>
        %dma_start3A_41 = arith.constant 0 : i32
        %dma_start3A_42 = tpu.memref_slice %arg4[%add3A_20, %dma_start3A_41] : memref<40x128xi32, #tpu.memory_space<hbm>> -> memref<1x128xi32, #tpu.memory_space<hbm>>
        %dma_start3A_43 = tpu.memref_squeeze %dma_start3A_42 : memref<1x128xi32, #tpu.memory_space<hbm>> -> memref<128xi32, #tpu.memory_space<hbm>>
        %dma_start3A_44 = arith.constant 0 : i32
        %dma_start3A_45 = tpu.memref_slice %arg6[%run_scoped3A, %dma_start3A_44] : memref<2x128xi32, #tpu.memory_space<vmem>> -> memref<1x128xi32, #tpu.memory_space<vmem>>
        %dma_start3A_46 = tpu.memref_squeeze %dma_start3A_45 : memref<1x128xi32, #tpu.memory_space<vmem>> -> memref<128xi32, #tpu.memory_space<vmem>>
        tpu.enqueue_dma source(%dma_start3A_46 : memref<128xi32, #tpu.memory_space<vmem>>) target(%dma_start3A_43 : memref<128xi32, #tpu.memory_space<hbm>>) target_semaphore(%run_scoped3A_35 : memref<!tpu.dma_semaphore, #tpu.memory_space<semaphore_mem>>)
        %dma_wait3A_47 = arith.constant 0 : i32
        %dma_wait3A_48 = tpu.memref_slice %arg6[%run_scoped3A, %dma_wait3A_47] : memref<2x128xi32, #tpu.memory_space<vmem>> -> memref<1x128xi32, #tpu.memory_space<vmem>>
        %dma_wait3A_49 = tpu.memref_squeeze %dma_wait3A_48 : memref<1x128xi32, #tpu.memory_space<vmem>> -> memref<128xi32, #tpu.memory_space<vmem>>
        %dma_wait3A_50 = arith.constant 0 : i32
        %dma_wait3A_51 = tpu.memref_slice %arg4[%add3A_20, %dma_wait3A_50] : memref<40x128xi32, #tpu.memory_space<hbm>> -> memref<1x128xi32, #tpu.memory_space<hbm>>
        %dma_wait3A_52 = tpu.memref_squeeze %dma_wait3A_51 : memref<1x128xi32, #tpu.memory_space<hbm>> -> memref<128xi32, #tpu.memory_space<hbm>>
        %dma_wait3A_53 = arith.constant 0 : i32
        %dma_wait3A_54 = tpu.memref_slice %arg4[%add3A_20, %dma_wait3A_53] : memref<40x128xi32, #tpu.memory_space<hbm>> -> memref<1x128xi32, #tpu.memory_space<hbm>>
        %dma_wait3A_55 = tpu.memref_squeeze %dma_wait3A_54 : memref<1x128xi32, #tpu.memory_space<hbm>> -> memref<128xi32, #tpu.memory_space<hbm>>
        %dma_wait3A_56 = arith.constant 0 : i32
        %dma_wait3A_57 = tpu.memref_slice %arg6[%run_scoped3A, %dma_wait3A_56] : memref<2x128xi32, #tpu.memory_space<vmem>> -> memref<1x128xi32, #tpu.memory_space<vmem>>
        %dma_wait3A_58 = tpu.memref_squeeze %dma_wait3A_57 : memref<1x128xi32, #tpu.memory_space<vmem>> -> memref<128xi32, #tpu.memory_space<vmem>>
        tpu.wait_dma2 semaphore(%run_scoped3A_35 : memref<!tpu.dma_semaphore, #tpu.memory_space<semaphore_mem>>) src(%dma_wait3A_58 : memref<128xi32, #tpu.memory_space<vmem>>) dst(%dma_wait3A_55 : memref<128xi32, #tpu.memory_space<hbm>>)
        tpu.yield
      }) : () -> ()
    } else {
    }
    return
  }
}

module attributes {stable_mosaic.version = 14 : i64} {
  func.func @_noise_body(%arg0: i32, %arg1: memref<512x1xi32, #tpu.memory_space<vmem>>, %arg2: memref<512x128xf32, #tpu.memory_space<vmem>>) attributes {dimension_semantics = [#tpu.dimension_semantics<arbitrary>], iteration_bounds = array<i64: 10>, scalar_prefetch = 0 : i64, scratch_operands = 0 : i64, tpu.core_type = #tpu.core_type<tc>, window_params = [{transform_indices = @transform_0, window_bounds = array<i64: 512, 1>}, {transform_indices = @transform_1, window_bounds = array<i64: 512, 128>}]} {
    %get3A = arith.constant 0 : index
    %get3A_0 = arith.constant 0 : index
    %get3A_1 = vector.load %arg1[%get3A, %get3A_0] : memref<512x1xi32, #tpu.memory_space<vmem>>, vector<512x1xi32>
    %iota3A = tpu.iota {dimensions = array<i32: 1>} : vector<512x128xi32>
    %mul3A = arith.constant 100000 : i32
    %mul3A_2 = vector.broadcast %mul3A : i32 to vector<512x128xi32>
    %mul3A_3 = arith.muli %iota3A, %mul3A_2 : vector<512x128xi32>
    %add3A = vector.broadcast %get3A_1 : vector<512x1xi32> to vector<512x128xi32>
    %add3A_4 = arith.addi %mul3A_3, %add3A : vector<512x128xi32>
    %xor3A = arith.constant 0 : i32
    %xor3A_5 = arith.constant 42 : i32
    %xor3A_6 = arith.xori %xor3A, %xor3A_5 : i32
    %xor3A_7 = arith.constant 466688986 : i32
    %xor3A_8 = arith.xori %xor3A_6, %xor3A_7 : i32
    %broadcast_in_dim3A = arith.constant 0 : i32
    %broadcast_in_dim3A_9 = vector.broadcast %broadcast_in_dim3A : i32 to vector<512x128xi32>
    %add3A_10 = arith.constant 0 : i32
    %add3A_11 = vector.broadcast %add3A_10 : i32 to vector<512x128xi32>
    %add3A_12 = arith.addi %broadcast_in_dim3A_9, %add3A_11 : vector<512x128xi32>
    %add3A_13 = arith.constant 42 : i32
    %add3A_14 = vector.broadcast %add3A_13 : i32 to vector<512x128xi32>
    %add3A_15 = arith.addi %add3A_4, %add3A_14 : vector<512x128xi32>
    %add3A_16 = arith.addi %add3A_12, %add3A_15 : vector<512x128xi32>
    %shift_left3A = arith.constant 13 : i32
    %shift_left3A_17 = vector.broadcast %shift_left3A : i32 to vector<512x128xi32>
    %shift_left3A_18 = arith.shli %add3A_15, %shift_left3A_17 : vector<512x128xi32>
    %shift_right_logical3A = arith.constant 19 : i32
    %shift_right_logical3A_19 = vector.broadcast %shift_right_logical3A : i32 to vector<512x128xi32>
    %shift_right_logical3A_20 = arith.shrui %add3A_15, %shift_right_logical3A_19 : vector<512x128xi32>
    %or3A = arith.ori %shift_left3A_18, %shift_right_logical3A_20 : vector<512x128xi32>
    %xor3A_21 = arith.xori %or3A, %add3A_16 : vector<512x128xi32>
    %add3A_22 = arith.addi %add3A_16, %xor3A_21 : vector<512x128xi32>
    %shift_left3A_23 = arith.constant 15 : i32
    %shift_left3A_24 = vector.broadcast %shift_left3A_23 : i32 to vector<512x128xi32>
    %shift_left3A_25 = arith.shli %xor3A_21, %shift_left3A_24 : vector<512x128xi32>
    %shift_right_logical3A_26 = arith.constant 17 : i32
    %shift_right_logical3A_27 = vector.broadcast %shift_right_logical3A_26 : i32 to vector<512x128xi32>
    %shift_right_logical3A_28 = arith.shrui %xor3A_21, %shift_right_logical3A_27 : vector<512x128xi32>
    %or3A_29 = arith.ori %shift_left3A_25, %shift_right_logical3A_28 : vector<512x128xi32>
    %xor3A_30 = arith.xori %or3A_29, %add3A_22 : vector<512x128xi32>
    %add3A_31 = arith.addi %add3A_22, %xor3A_30 : vector<512x128xi32>
    %shift_left3A_32 = arith.constant 26 : i32
    %shift_left3A_33 = vector.broadcast %shift_left3A_32 : i32 to vector<512x128xi32>
    %shift_left3A_34 = arith.shli %xor3A_30, %shift_left3A_33 : vector<512x128xi32>
    %shift_right_logical3A_35 = arith.constant 6 : i32
    %shift_right_logical3A_36 = vector.broadcast %shift_right_logical3A_35 : i32 to vector<512x128xi32>
    %shift_right_logical3A_37 = arith.shrui %xor3A_30, %shift_right_logical3A_36 : vector<512x128xi32>
    %or3A_38 = arith.ori %shift_left3A_34, %shift_right_logical3A_37 : vector<512x128xi32>
    %xor3A_39 = arith.xori %or3A_38, %add3A_31 : vector<512x128xi32>
    %add3A_40 = arith.addi %add3A_31, %xor3A_39 : vector<512x128xi32>
    %shift_left3A_41 = arith.constant 6 : i32
    %shift_left3A_42 = vector.broadcast %shift_left3A_41 : i32 to vector<512x128xi32>
    %shift_left3A_43 = arith.shli %xor3A_39, %shift_left3A_42 : vector<512x128xi32>
    %shift_right_logical3A_44 = arith.constant 26 : i32
    %shift_right_logical3A_45 = vector.broadcast %shift_right_logical3A_44 : i32 to vector<512x128xi32>
    %shift_right_logical3A_46 = arith.shrui %xor3A_39, %shift_right_logical3A_45 : vector<512x128xi32>
    %or3A_47 = arith.ori %shift_left3A_43, %shift_right_logical3A_46 : vector<512x128xi32>
    %xor3A_48 = arith.xori %or3A_47, %add3A_40 : vector<512x128xi32>
    %add3A_49 = arith.constant 42 : i32
    %add3A_50 = vector.broadcast %add3A_49 : i32 to vector<512x128xi32>
    %add3A_51 = arith.addi %add3A_40, %add3A_50 : vector<512x128xi32>
    %add3A_52 = vector.broadcast %xor3A_8 : i32 to vector<512x128xi32>
    %add3A_53 = arith.addi %xor3A_48, %add3A_52 : vector<512x128xi32>
    %add3A_54 = arith.constant 1 : i32
    %add3A_55 = vector.broadcast %add3A_54 : i32 to vector<512x128xi32>
    %add3A_56 = arith.addi %add3A_53, %add3A_55 : vector<512x128xi32>
    %add3A_57 = arith.addi %add3A_51, %add3A_56 : vector<512x128xi32>
    %shift_left3A_58 = arith.constant 17 : i32
    %shift_left3A_59 = vector.broadcast %shift_left3A_58 : i32 to vector<512x128xi32>
    %shift_left3A_60 = arith.shli %add3A_56, %shift_left3A_59 : vector<512x128xi32>
    %shift_right_logical3A_61 = arith.constant 15 : i32
    %shift_right_logical3A_62 = vector.broadcast %shift_right_logical3A_61 : i32 to vector<512x128xi32>
    %shift_right_logical3A_63 = arith.shrui %add3A_56, %shift_right_logical3A_62 : vector<512x128xi32>
    %or3A_64 = arith.ori %shift_left3A_60, %shift_right_logical3A_63 : vector<512x128xi32>
    %xor3A_65 = arith.xori %or3A_64, %add3A_57 : vector<512x128xi32>
    %add3A_66 = arith.addi %add3A_57, %xor3A_65 : vector<512x128xi32>
    %shift_left3A_67 = arith.constant 29 : i32
    %shift_left3A_68 = vector.broadcast %shift_left3A_67 : i32 to vector<512x128xi32>
    %shift_left3A_69 = arith.shli %xor3A_65, %shift_left3A_68 : vector<512x128xi32>
    %shift_right_logical3A_70 = arith.constant 3 : i32
    %shift_right_logical3A_71 = vector.broadcast %shift_right_logical3A_70 : i32 to vector<512x128xi32>
    %shift_right_logical3A_72 = arith.shrui %xor3A_65, %shift_right_logical3A_71 : vector<512x128xi32>
    %or3A_73 = arith.ori %shift_left3A_69, %shift_right_logical3A_72 : vector<512x128xi32>
    %xor3A_74 = arith.xori %or3A_73, %add3A_66 : vector<512x128xi32>
    %add3A_75 = arith.addi %add3A_66, %xor3A_74 : vector<512x128xi32>
    %shift_left3A_76 = arith.constant 16 : i32
    %shift_left3A_77 = vector.broadcast %shift_left3A_76 : i32 to vector<512x128xi32>
    %shift_left3A_78 = arith.shli %xor3A_74, %shift_left3A_77 : vector<512x128xi32>
    %shift_right_logical3A_79 = arith.constant 16 : i32
    %shift_right_logical3A_80 = vector.broadcast %shift_right_logical3A_79 : i32 to vector<512x128xi32>
    %shift_right_logical3A_81 = arith.shrui %xor3A_74, %shift_right_logical3A_80 : vector<512x128xi32>
    %or3A_82 = arith.ori %shift_left3A_78, %shift_right_logical3A_81 : vector<512x128xi32>
    %xor3A_83 = arith.xori %or3A_82, %add3A_75 : vector<512x128xi32>
    %add3A_84 = arith.addi %add3A_75, %xor3A_83 : vector<512x128xi32>
    %shift_left3A_85 = arith.constant 24 : i32
    %shift_left3A_86 = vector.broadcast %shift_left3A_85 : i32 to vector<512x128xi32>
    %shift_left3A_87 = arith.shli %xor3A_83, %shift_left3A_86 : vector<512x128xi32>
    %shift_right_logical3A_88 = arith.constant 8 : i32
    %shift_right_logical3A_89 = vector.broadcast %shift_right_logical3A_88 : i32 to vector<512x128xi32>
    %shift_right_logical3A_90 = arith.shrui %xor3A_83, %shift_right_logical3A_89 : vector<512x128xi32>
    %or3A_91 = arith.ori %shift_left3A_87, %shift_right_logical3A_90 : vector<512x128xi32>
    %xor3A_92 = arith.xori %or3A_91, %add3A_84 : vector<512x128xi32>
    %add3A_93 = vector.broadcast %xor3A_8 : i32 to vector<512x128xi32>
    %add3A_94 = arith.addi %add3A_84, %add3A_93 : vector<512x128xi32>
    %add3A_95 = arith.constant 0 : i32
    %add3A_96 = vector.broadcast %add3A_95 : i32 to vector<512x128xi32>
    %add3A_97 = arith.addi %xor3A_92, %add3A_96 : vector<512x128xi32>
    %add3A_98 = arith.constant 2 : i32
    %add3A_99 = vector.broadcast %add3A_98 : i32 to vector<512x128xi32>
    %add3A_100 = arith.addi %add3A_97, %add3A_99 : vector<512x128xi32>
    %add3A_101 = arith.addi %add3A_94, %add3A_100 : vector<512x128xi32>
    %shift_left3A_102 = arith.constant 13 : i32
    %shift_left3A_103 = vector.broadcast %shift_left3A_102 : i32 to vector<512x128xi32>
    %shift_left3A_104 = arith.shli %add3A_100, %shift_left3A_103 : vector<512x128xi32>
    %shift_right_logical3A_105 = arith.constant 19 : i32
    %shift_right_logical3A_106 = vector.broadcast %shift_right_logical3A_105 : i32 to vector<512x128xi32>
    %shift_right_logical3A_107 = arith.shrui %add3A_100, %shift_right_logical3A_106 : vector<512x128xi32>
    %or3A_108 = arith.ori %shift_left3A_104, %shift_right_logical3A_107 : vector<512x128xi32>
    %xor3A_109 = arith.xori %or3A_108, %add3A_101 : vector<512x128xi32>
    %add3A_110 = arith.addi %add3A_101, %xor3A_109 : vector<512x128xi32>
    %shift_left3A_111 = arith.constant 15 : i32
    %shift_left3A_112 = vector.broadcast %shift_left3A_111 : i32 to vector<512x128xi32>
    %shift_left3A_113 = arith.shli %xor3A_109, %shift_left3A_112 : vector<512x128xi32>
    %shift_right_logical3A_114 = arith.constant 17 : i32
    %shift_right_logical3A_115 = vector.broadcast %shift_right_logical3A_114 : i32 to vector<512x128xi32>
    %shift_right_logical3A_116 = arith.shrui %xor3A_109, %shift_right_logical3A_115 : vector<512x128xi32>
    %or3A_117 = arith.ori %shift_left3A_113, %shift_right_logical3A_116 : vector<512x128xi32>
    %xor3A_118 = arith.xori %or3A_117, %add3A_110 : vector<512x128xi32>
    %add3A_119 = arith.addi %add3A_110, %xor3A_118 : vector<512x128xi32>
    %shift_left3A_120 = arith.constant 26 : i32
    %shift_left3A_121 = vector.broadcast %shift_left3A_120 : i32 to vector<512x128xi32>
    %shift_left3A_122 = arith.shli %xor3A_118, %shift_left3A_121 : vector<512x128xi32>
    %shift_right_logical3A_123 = arith.constant 6 : i32
    %shift_right_logical3A_124 = vector.broadcast %shift_right_logical3A_123 : i32 to vector<512x128xi32>
    %shift_right_logical3A_125 = arith.shrui %xor3A_118, %shift_right_logical3A_124 : vector<512x128xi32>
    %or3A_126 = arith.ori %shift_left3A_122, %shift_right_logical3A_125 : vector<512x128xi32>
    %xor3A_127 = arith.xori %or3A_126, %add3A_119 : vector<512x128xi32>
    %add3A_128 = arith.addi %add3A_119, %xor3A_127 : vector<512x128xi32>
    %shift_left3A_129 = arith.constant 6 : i32
    %shift_left3A_130 = vector.broadcast %shift_left3A_129 : i32 to vector<512x128xi32>
    %shift_left3A_131 = arith.shli %xor3A_127, %shift_left3A_130 : vector<512x128xi32>
    %shift_right_logical3A_132 = arith.constant 26 : i32
    %shift_right_logical3A_133 = vector.broadcast %shift_right_logical3A_132 : i32 to vector<512x128xi32>
    %shift_right_logical3A_134 = arith.shrui %xor3A_127, %shift_right_logical3A_133 : vector<512x128xi32>
    %or3A_135 = arith.ori %shift_left3A_131, %shift_right_logical3A_134 : vector<512x128xi32>
    %xor3A_136 = arith.xori %or3A_135, %add3A_128 : vector<512x128xi32>
    %add3A_137 = arith.constant 0 : i32
    %add3A_138 = vector.broadcast %add3A_137 : i32 to vector<512x128xi32>
    %add3A_139 = arith.addi %add3A_128, %add3A_138 : vector<512x128xi32>
    %add3A_140 = arith.constant 42 : i32
    %add3A_141 = vector.broadcast %add3A_140 : i32 to vector<512x128xi32>
    %add3A_142 = arith.addi %xor3A_136, %add3A_141 : vector<512x128xi32>
    %add3A_143 = arith.constant 3 : i32
    %add3A_144 = vector.broadcast %add3A_143 : i32 to vector<512x128xi32>
    %add3A_145 = arith.addi %add3A_142, %add3A_144 : vector<512x128xi32>
    %add3A_146 = arith.addi %add3A_139, %add3A_145 : vector<512x128xi32>
    %shift_left3A_147 = arith.constant 17 : i32
    %shift_left3A_148 = vector.broadcast %shift_left3A_147 : i32 to vector<512x128xi32>
    %shift_left3A_149 = arith.shli %add3A_145, %shift_left3A_148 : vector<512x128xi32>
    %shift_right_logical3A_150 = arith.constant 15 : i32
    %shift_right_logical3A_151 = vector.broadcast %shift_right_logical3A_150 : i32 to vector<512x128xi32>
    %shift_right_logical3A_152 = arith.shrui %add3A_145, %shift_right_logical3A_151 : vector<512x128xi32>
    %or3A_153 = arith.ori %shift_left3A_149, %shift_right_logical3A_152 : vector<512x128xi32>
    %xor3A_154 = arith.xori %or3A_153, %add3A_146 : vector<512x128xi32>
    %add3A_155 = arith.addi %add3A_146, %xor3A_154 : vector<512x128xi32>
    %shift_left3A_156 = arith.constant 29 : i32
    %shift_left3A_157 = vector.broadcast %shift_left3A_156 : i32 to vector<512x128xi32>
    %shift_left3A_158 = arith.shli %xor3A_154, %shift_left3A_157 : vector<512x128xi32>
    %shift_right_logical3A_159 = arith.constant 3 : i32
    %shift_right_logical3A_160 = vector.broadcast %shift_right_logical3A_159 : i32 to vector<512x128xi32>
    %shift_right_logical3A_161 = arith.shrui %xor3A_154, %shift_right_logical3A_160 : vector<512x128xi32>
    %or3A_162 = arith.ori %shift_left3A_158, %shift_right_logical3A_161 : vector<512x128xi32>
    %xor3A_163 = arith.xori %or3A_162, %add3A_155 : vector<512x128xi32>
    %add3A_164 = arith.addi %add3A_155, %xor3A_163 : vector<512x128xi32>
    %shift_left3A_165 = arith.constant 16 : i32
    %shift_left3A_166 = vector.broadcast %shift_left3A_165 : i32 to vector<512x128xi32>
    %shift_left3A_167 = arith.shli %xor3A_163, %shift_left3A_166 : vector<512x128xi32>
    %shift_right_logical3A_168 = arith.constant 16 : i32
    %shift_right_logical3A_169 = vector.broadcast %shift_right_logical3A_168 : i32 to vector<512x128xi32>
    %shift_right_logical3A_170 = arith.shrui %xor3A_163, %shift_right_logical3A_169 : vector<512x128xi32>
    %or3A_171 = arith.ori %shift_left3A_167, %shift_right_logical3A_170 : vector<512x128xi32>
    %xor3A_172 = arith.xori %or3A_171, %add3A_164 : vector<512x128xi32>
    %add3A_173 = arith.addi %add3A_164, %xor3A_172 : vector<512x128xi32>
    %shift_left3A_174 = arith.constant 24 : i32
    %shift_left3A_175 = vector.broadcast %shift_left3A_174 : i32 to vector<512x128xi32>
    %shift_left3A_176 = arith.shli %xor3A_172, %shift_left3A_175 : vector<512x128xi32>
    %shift_right_logical3A_177 = arith.constant 8 : i32
    %shift_right_logical3A_178 = vector.broadcast %shift_right_logical3A_177 : i32 to vector<512x128xi32>
    %shift_right_logical3A_179 = arith.shrui %xor3A_172, %shift_right_logical3A_178 : vector<512x128xi32>
    %or3A_180 = arith.ori %shift_left3A_176, %shift_right_logical3A_179 : vector<512x128xi32>
    %xor3A_181 = arith.xori %or3A_180, %add3A_173 : vector<512x128xi32>
    %add3A_182 = arith.constant 42 : i32
    %add3A_183 = vector.broadcast %add3A_182 : i32 to vector<512x128xi32>
    %add3A_184 = arith.addi %add3A_173, %add3A_183 : vector<512x128xi32>
    %add3A_185 = vector.broadcast %xor3A_8 : i32 to vector<512x128xi32>
    %add3A_186 = arith.addi %xor3A_181, %add3A_185 : vector<512x128xi32>
    %add3A_187 = arith.constant 4 : i32
    %add3A_188 = vector.broadcast %add3A_187 : i32 to vector<512x128xi32>
    %add3A_189 = arith.addi %add3A_186, %add3A_188 : vector<512x128xi32>
    %add3A_190 = arith.addi %add3A_184, %add3A_189 : vector<512x128xi32>
    %shift_left3A_191 = arith.constant 13 : i32
    %shift_left3A_192 = vector.broadcast %shift_left3A_191 : i32 to vector<512x128xi32>
    %shift_left3A_193 = arith.shli %add3A_189, %shift_left3A_192 : vector<512x128xi32>
    %shift_right_logical3A_194 = arith.constant 19 : i32
    %shift_right_logical3A_195 = vector.broadcast %shift_right_logical3A_194 : i32 to vector<512x128xi32>
    %shift_right_logical3A_196 = arith.shrui %add3A_189, %shift_right_logical3A_195 : vector<512x128xi32>
    %or3A_197 = arith.ori %shift_left3A_193, %shift_right_logical3A_196 : vector<512x128xi32>
    %xor3A_198 = arith.xori %or3A_197, %add3A_190 : vector<512x128xi32>
    %add3A_199 = arith.addi %add3A_190, %xor3A_198 : vector<512x128xi32>
    %shift_left3A_200 = arith.constant 15 : i32
    %shift_left3A_201 = vector.broadcast %shift_left3A_200 : i32 to vector<512x128xi32>
    %shift_left3A_202 = arith.shli %xor3A_198, %shift_left3A_201 : vector<512x128xi32>
    %shift_right_logical3A_203 = arith.constant 17 : i32
    %shift_right_logical3A_204 = vector.broadcast %shift_right_logical3A_203 : i32 to vector<512x128xi32>
    %shift_right_logical3A_205 = arith.shrui %xor3A_198, %shift_right_logical3A_204 : vector<512x128xi32>
    %or3A_206 = arith.ori %shift_left3A_202, %shift_right_logical3A_205 : vector<512x128xi32>
    %xor3A_207 = arith.xori %or3A_206, %add3A_199 : vector<512x128xi32>
    %add3A_208 = arith.addi %add3A_199, %xor3A_207 : vector<512x128xi32>
    %shift_left3A_209 = arith.constant 26 : i32
    %shift_left3A_210 = vector.broadcast %shift_left3A_209 : i32 to vector<512x128xi32>
    %shift_left3A_211 = arith.shli %xor3A_207, %shift_left3A_210 : vector<512x128xi32>
    %shift_right_logical3A_212 = arith.constant 6 : i32
    %shift_right_logical3A_213 = vector.broadcast %shift_right_logical3A_212 : i32 to vector<512x128xi32>
    %shift_right_logical3A_214 = arith.shrui %xor3A_207, %shift_right_logical3A_213 : vector<512x128xi32>
    %or3A_215 = arith.ori %shift_left3A_211, %shift_right_logical3A_214 : vector<512x128xi32>
    %xor3A_216 = arith.xori %or3A_215, %add3A_208 : vector<512x128xi32>
    %add3A_217 = arith.addi %add3A_208, %xor3A_216 : vector<512x128xi32>
    %shift_left3A_218 = arith.constant 6 : i32
    %shift_left3A_219 = vector.broadcast %shift_left3A_218 : i32 to vector<512x128xi32>
    %shift_left3A_220 = arith.shli %xor3A_216, %shift_left3A_219 : vector<512x128xi32>
    %shift_right_logical3A_221 = arith.constant 26 : i32
    %shift_right_logical3A_222 = vector.broadcast %shift_right_logical3A_221 : i32 to vector<512x128xi32>
    %shift_right_logical3A_223 = arith.shrui %xor3A_216, %shift_right_logical3A_222 : vector<512x128xi32>
    %or3A_224 = arith.ori %shift_left3A_220, %shift_right_logical3A_223 : vector<512x128xi32>
    %xor3A_225 = arith.xori %or3A_224, %add3A_217 : vector<512x128xi32>
    %add3A_226 = vector.broadcast %xor3A_8 : i32 to vector<512x128xi32>
    %add3A_227 = arith.addi %add3A_217, %add3A_226 : vector<512x128xi32>
    %add3A_228 = arith.constant 0 : i32
    %add3A_229 = vector.broadcast %add3A_228 : i32 to vector<512x128xi32>
    %add3A_230 = arith.addi %xor3A_225, %add3A_229 : vector<512x128xi32>
    %add3A_231 = arith.constant 5 : i32
    %add3A_232 = vector.broadcast %add3A_231 : i32 to vector<512x128xi32>
    %add3A_233 = arith.addi %add3A_230, %add3A_232 : vector<512x128xi32>
    %xor3A_234 = arith.xori %add3A_227, %add3A_233 : vector<512x128xi32>
    %shift_right_logical3A_235 = arith.constant 9 : i32
    %shift_right_logical3A_236 = vector.broadcast %shift_right_logical3A_235 : i32 to vector<512x128xi32>
    %shift_right_logical3A_237 = arith.shrui %xor3A_234, %shift_right_logical3A_236 : vector<512x128xi32>
    %or3A_238 = arith.constant 1065353216 : i32
    %or3A_239 = vector.broadcast %or3A_238 : i32 to vector<512x128xi32>
    %or3A_240 = arith.ori %shift_right_logical3A_237, %or3A_239 : vector<512x128xi32>
    %bitcast_convert_type3A = tpu.bitcast %or3A_240 : vector<512x128xi32> -> vector<512x128xf32>
    %sub3A = arith.constant 1.000000e+00 : f32
    %sub3A_241 = vector.broadcast %sub3A : f32 to vector<512x128xf32>
    %sub3A_242 = arith.subf %bitcast_convert_type3A, %sub3A_241 : vector<512x128xf32>
    %sub3A_243 = arith.constant 1.000000e+00 : f32
    %sub3A_244 = arith.constant 1.17549435E-38 : f32
    %sub3A_245 = arith.subf %sub3A_243, %sub3A_244 : f32
    %mul3A_246 = vector.broadcast %sub3A_245 : f32 to vector<512x128xf32>
    %mul3A_247 = arith.mulf %sub3A_242, %mul3A_246 : vector<512x128xf32>
    %add3A_248 = arith.constant 1.17549435E-38 : f32
    %add3A_249 = vector.broadcast %add3A_248 : f32 to vector<512x128xf32>
    %add3A_250 = arith.addf %mul3A_247, %add3A_249 : vector<512x128xf32>
    %max3A = arith.constant 1.17549435E-38 : f32
    %max3A_251 = vector.broadcast %max3A : f32 to vector<512x128xf32>
    %max3A_252 = arith.maximumf %max3A_251, %add3A_250 : vector<512x128xf32>
    %log3A = math.log %max3A_252 : vector<512x128xf32>
    %neg3A = arith.constant 0.000000e+00 : f32
    %neg3A_253 = vector.broadcast %neg3A : f32 to vector<512x128xf32>
    %neg3A_254 = arith.subf %neg3A_253, %log3A : vector<512x128xf32>
    %log3A_255 = math.log %neg3A_254 : vector<512x128xf32>
    %neg3A_256 = arith.constant 0.000000e+00 : f32
    %neg3A_257 = vector.broadcast %neg3A_256 : f32 to vector<512x128xf32>
    %neg3A_258 = arith.subf %neg3A_257, %log3A_255 : vector<512x128xf32>
    %swap3A = arith.constant 0 : index
    %swap3A_259 = arith.constant 0 : index
    %swap3A_260 = vector.load %arg2[%swap3A, %swap3A_259] : memref<512x128xf32, #tpu.memory_space<vmem>>, vector<512x128xf32>
    tpu.vector_store %arg2[%swap3A, %swap3A_259], %neg3A_258 {strides = array<i32>} : memref<512x128xf32, #tpu.memory_space<vmem>>, vector<512x128xf32>,
    return
  }
  func.func @transform_0(%arg0: i32) -> (i32, i32) {
    %c0_i32 = arith.constant 0 : i32
    %c0_i32_0 = arith.constant 0 : i32
    return %arg0, %c0_i32 : i32, i32
  }
  func.func @transform_1(%arg0: i32) -> (i32, i32) {
    %c0_i32 = arith.constant 0 : i32
    %c0_i32_0 = arith.constant 0 : i32
    return %arg0, %c0_i32 : i32, i32
  }
}

module attributes {stable_mosaic.version = 14 : i64} {
  func.func @_select_body(%arg0: memref<5120x128xf32, #tpu.memory_space<vmem>>, %arg1: memref<5120x128xf32, #tpu.memory_space<vmem>>, %arg2: memref<5120x1xi32, #tpu.memory_space<vmem>>, %arg3: memref<5120x1xi32, #tpu.memory_space<vmem>>, %arg4: memref<1x128xi32, #tpu.memory_space<vmem>>, %arg5: memref<1x128xf32, #tpu.memory_space<vmem>>) attributes {dimension_semantics = [], scalar_prefetch = 0 : i64, scratch_operands = 0 : i64, tpu.core_type = #tpu.core_type<tc>} {
    %get3A = arith.constant 0 : index
    %get3A_0 = arith.constant 0 : index
    %get3A_1 = vector.load %arg0[%get3A, %get3A_0] : memref<5120x128xf32, #tpu.memory_space<vmem>>, vector<5120x128xf32>
    %get3A_2 = arith.constant 0 : index
    %get3A_3 = arith.constant 0 : index
    %get3A_4 = vector.load %arg1[%get3A_2, %get3A_3] : memref<5120x128xf32, #tpu.memory_space<vmem>>, vector<5120x128xf32>
    %get3A_5 = arith.constant 0 : index
    %get3A_6 = arith.constant 0 : index
    %get3A_7 = vector.load %arg2[%get3A_5, %get3A_6] : memref<5120x1xi32, #tpu.memory_space<vmem>>, vector<5120x1xi32>
    %get3A_8 = arith.constant 0 : index
    %get3A_9 = arith.constant 0 : index
    %get3A_10 = vector.load %arg3[%get3A_8, %get3A_9] : memref<5120x1xi32, #tpu.memory_space<vmem>>, vector<5120x1xi32>
    %iota3A = tpu.iota {dimensions = array<i32: 0>} : vector<5120x1xi32>
    %lt3A = arith.constant 5000 : i32
    %lt3A_11 = vector.broadcast %lt3A : i32 to vector<5120x1xi32>
    %lt3A_12 = arith.cmpi slt, %iota3A, %lt3A_11 : vector<5120x1xi32>
    %eq3A = arith.cmpi eq, %get3A_10, %iota3A : vector<5120x1xi32>
    %and3A = arith.andi %lt3A_12, %eq3A : vector<5120x1xi1>
    %mul3A = arith.constant 5.000000e+00 : f32
    %mul3A_13 = vector.broadcast %mul3A : f32 to vector<5120x128xf32>
    %mul3A_14 = arith.mulf %get3A_1, %mul3A_13 : vector<5120x128xf32>
    %jit3A = arith.constant 0xFF800000 : f32
    %broadcast_in_dim3A = vector.shape_cast %and3A : vector<5120x1xi1> to vector<5120x1xi1>
    %broadcast_in_dim3A_15 = vector.broadcast %broadcast_in_dim3A : vector<5120x1xi1> to vector<5120x128xi1>
    %broadcast_in_dim3A_16 = vector.broadcast %jit3A : f32 to vector<5120x128xf32>
    %select_n3A = arith.select %broadcast_in_dim3A_15, %mul3A_14, %broadcast_in_dim3A_16 : vector<5120x128xi1>, vector<5120x128xf32>
    %reduce_max3A = arith.constant dense<0xFF800000> : vector<128xf32>
    %reduce_max3A_17 = vector.multi_reduction <maximumf>, %select_n3A, %reduce_max3A [0] : vector<5120x128xf32> to vector<128xf32>
    %broadcast_in_dim3A_18 = vector.shape_cast %reduce_max3A_17 : vector<128xf32> to vector<1x128xf32>
    %sub3A = vector.broadcast %broadcast_in_dim3A_18 : vector<1x128xf32> to vector<5120x128xf32>
    %sub3A_19 = arith.subf %select_n3A, %sub3A : vector<5120x128xf32>
    %exp3A = math.exp %sub3A_19 : vector<5120x128xf32>
    %jit3A_20 = arith.constant 0.000000e+00 : f32
    %broadcast_in_dim3A_21 = vector.shape_cast %and3A : vector<5120x1xi1> to vector<5120x1xi1>
    %broadcast_in_dim3A_22 = vector.broadcast %broadcast_in_dim3A_21 : vector<5120x1xi1> to vector<5120x128xi1>
    %broadcast_in_dim3A_23 = vector.broadcast %jit3A_20 : f32 to vector<5120x128xf32>
    %select_n3A_24 = arith.select %broadcast_in_dim3A_22, %exp3A, %broadcast_in_dim3A_23 : vector<5120x128xi1>, vector<5120x128xf32>
    %reduce_sum3A = arith.constant dense<0.000000e+00> : vector<128xf32>
    %reduce_sum3A_25 = vector.multi_reduction <add>, %select_n3A_24, %reduce_sum3A [0] : vector<5120x128xf32> to vector<128xf32>
    %broadcast_in_dim3A_26 = vector.shape_cast %reduce_sum3A_25 : vector<128xf32> to vector<1x128xf32>
    %add3A = arith.addf %mul3A_14, %get3A_4 : vector<5120x128xf32>
    %jit3A_27 = arith.constant 0xFF800000 : f32
    %broadcast_in_dim3A_28 = vector.shape_cast %and3A : vector<5120x1xi1> to vector<5120x1xi1>
    %broadcast_in_dim3A_29 = vector.broadcast %broadcast_in_dim3A_28 : vector<5120x1xi1> to vector<5120x128xi1>
    %broadcast_in_dim3A_30 = vector.broadcast %jit3A_27 : f32 to vector<5120x128xf32>
    %select_n3A_31 = arith.select %broadcast_in_dim3A_29, %add3A, %broadcast_in_dim3A_30 : vector<5120x128xi1>, vector<5120x128xf32>
    %reduce_max3A_32 = arith.constant dense<0xFF800000> : vector<128xf32>
    %reduce_max3A_33 = vector.multi_reduction <maximumf>, %select_n3A_31, %reduce_max3A_32 [0] : vector<5120x128xf32> to vector<128xf32>
    %broadcast_in_dim3A_34 = vector.shape_cast %reduce_max3A_33 : vector<128xf32> to vector<1x128xf32>
    %ge3A = vector.broadcast %broadcast_in_dim3A_34 : vector<1x128xf32> to vector<5120x128xf32>
    %ge3A_35 = arith.cmpf oge, %select_n3A_31, %ge3A : vector<5120x128xf32>
    %jit3A_36 = arith.constant 1073741824 : i32
    %broadcast_in_dim3A_37 = vector.shape_cast %iota3A : vector<5120x1xi32> to vector<5120x1xi32>
    %broadcast_in_dim3A_38 = vector.broadcast %broadcast_in_dim3A_37 : vector<5120x1xi32> to vector<5120x128xi32>
    %broadcast_in_dim3A_39 = vector.broadcast %jit3A_36 : i32 to vector<5120x128xi32>
    %select_n3A_40 = arith.select %ge3A_35, %broadcast_in_dim3A_38, %broadcast_in_dim3A_39 : vector<5120x128xi1>, vector<5120x128xi32>
    %reduce_min3A = arith.constant dense<2147483647> : vector<128xi32>
    %reduce_min3A_41 = vector.multi_reduction <minsi>, %select_n3A_40, %reduce_min3A [0] : vector<5120x128xi32> to vector<128xi32>
    %broadcast_in_dim3A_42 = vector.shape_cast %reduce_min3A_41 : vector<128xi32> to vector<1x128xi32>
    %eq3A_43 = vector.broadcast %iota3A : vector<5120x1xi32> to vector<5120x128xi32>
    %eq3A_44 = vector.broadcast %broadcast_in_dim3A_42 : vector<1x128xi32> to vector<5120x128xi32>
    %eq3A_45 = arith.cmpi eq, %eq3A_43, %eq3A_44 : vector<5120x128xi32>
    %jit3A_46 = arith.constant 0 : i32
    %broadcast_in_dim3A_47 = vector.shape_cast %get3A_7 : vector<5120x1xi32> to vector<5120x1xi32>
    %broadcast_in_dim3A_48 = vector.broadcast %broadcast_in_dim3A_47 : vector<5120x1xi32> to vector<5120x128xi32>
    %broadcast_in_dim3A_49 = vector.broadcast %jit3A_46 : i32 to vector<5120x128xi32>
    %select_n3A_50 = arith.select %eq3A_45, %broadcast_in_dim3A_48, %broadcast_in_dim3A_49 : vector<5120x128xi1>, vector<5120x128xi32>
    %reduce_max3A_51 = arith.constant dense<-2147483648> : vector<128xi32>
    %reduce_max3A_52 = vector.multi_reduction <maxsi>, %select_n3A_50, %reduce_max3A_51 [0] : vector<5120x128xi32> to vector<128xi32>
    %broadcast_in_dim3A_53 = vector.shape_cast %reduce_max3A_52 : vector<128xi32> to vector<1x128xi32>
    %jit3A_54 = arith.constant 0.000000e+00 : f32
    %broadcast_in_dim3A_55 = vector.broadcast %jit3A_54 : f32 to vector<5120x128xf32>
    %select_n3A_56 = arith.select %eq3A_45, %exp3A, %broadcast_in_dim3A_55 : vector<5120x128xi1>, vector<5120x128xf32>
    %reduce_max3A_57 = arith.constant dense<0xFF800000> : vector<128xf32>
    %reduce_max3A_58 = vector.multi_reduction <maximumf>, %select_n3A_56, %reduce_max3A_57 [0] : vector<5120x128xf32> to vector<128xf32>
    %broadcast_in_dim3A_59 = vector.shape_cast %reduce_max3A_58 : vector<128xf32> to vector<1x128xf32>
    %swap3A = arith.constant 0 : index
    %swap3A_60 = arith.constant 0 : index
    %swap3A_61 = vector.load %arg4[%swap3A, %swap3A_60] : memref<1x128xi32, #tpu.memory_space<vmem>>, vector<1x128xi32>
    tpu.vector_store %arg4[%swap3A, %swap3A_60], %broadcast_in_dim3A_53 {strides = array<i32>} : memref<1x128xi32, #tpu.memory_space<vmem>>, vector<1x128xi32>,
    %div3A = arith.divf %broadcast_in_dim3A_59, %broadcast_in_dim3A_26 : vector<1x128xf32>
    %swap3A_62 = arith.constant 0 : index
    %swap3A_63 = arith.constant 0 : index
    %swap3A_64 = vector.load %arg5[%swap3A_62, %swap3A_63] : memref<1x128xf32, #tpu.memory_space<vmem>>, vector<1x128xf32>
    tpu.vector_store %arg5[%swap3A_62, %swap3A_63], %div3A {strides = array<i32>} : memref<1x128xf32, #tpu.memory_space<vmem>>, vector<1x128xf32>,
    return
  }
}

</mosaic_0001>

<sc_bundles>
// kernel: kernel.6.cloned.1.call-start
scs
__scs_entry_jumppad:
0x0: {  	(pc) =	sbr.rel $0x88, $3  }
0x1: {  	(tag) =	ssettag $0x0;
	lr =	simm.s32 $0x1  }
0x2: {  	[smem:$0x3F9F] =	sst lr;
	_ =	strace $0xD0000000  }
0x3: {  	_ = 	snop  }
0x4: {  	_ = 	snop  }
0x5: {  	_ = 	snop  }
0x6: {  	_ = 	snop  }
0x7: {  	_ = 	snop  }
__scs_overlays_trampoline_lowered:
0x8: {  	[smem:$0x3FAE] =	sst s0  }
0x9: {  	[smem:$0x3FAF] =	sst s1  }
0xa: {  	[smem:$0x3FB0] =	sst s2  }
0xb: {  	[smem:$0x3FB1] =	sst s3  }
0xc: {  	[smem:$0x3FB2] =	sst s4  }
0xd: {  	[smem:$0x3FB3] =	sst s5  }
0xe: {  	[smem:$0x3FB4] =	sst s6  }
0xf: {  	[smem:$0x3FB5] =	sst s7  }
0x10: {  	[smem:$0x3FB6] =	sst s8  }
0x11: {  	[smem:$0x3FB7] =	sst s9;
	s0 =	simm.s32 @!p0 $0x0  }
0x12: {  	s1 =	sld [smem:$0x3F9D];
	s0 =	simm.s32 @p0 $0x1  }
0x13: {  	[smem:$0x3FB8] =	sst s0;
	s0 =	simm.s32 @!p1 $0x0  }
0x14: {  	s2 =	sld [smem:$0x3F9C];
	s0 =	simm.s32 @p1 $0x1  }
0x15: {  	[smem:$0x3FB9] =	sst s0;
	s0 =	simm.s32 @!p2 $0x0  }
0x16: {  	s3 =	sld [smem:$0x3FDB];
	s0 =	simm.s32 @p2 $0x1  }
0x17: {  	s4 =	simm.s32 $0x1BF5;
	[smem:$0x3FBB] =	sst s0  }
0x18: {  	s0 =	sld [smem:$0x3F9E];
	_ =	swait.ge [sflag:s4], $0x0  }
0x19: {  	s7 =	sld [smem:$0x3F9F]  }
0x1a: {  	s8 =	sadd.s32 $0xFFFFE003, lr  }
0x1b: {  	s9 =	sadd.s32 $0xFFFFFEF7, lr;
	s5 =	simm.s32 $0xFFFFFFFF;
	p2 =	slt.u32 s8, $0xFFFFF086  }
0x1c: {  	p1 =	slt.u32 s9, $0xF7A;
	s5 =	simm.s32 @!p2 $0x0  }
0x1d: {  	s5 =	simm.s32 @p1 $0x1;
	p0 =	seq.s32 s7, s2  }
0x1e: {  	s7 =	smul.u32 @!p0 $0xF7A, s2;
	p2 =	seq.s32 @!p0 s5, $0x0  }
0x1f: {  	s9 =	smul.u32 $0xF7A, s1;
	s8 =	simm.s32 @!p0 $0x1BF5;
	p2 =	por !p2, p0  }
0x20: {  	[sflag:s8] =	ssyncset.s32 @!p0 $0xFFFFF086;
	s6 =	sadd.s32 @!p0 s3, s7;
	s7 =	simm.s32 @!p0 $0x108  }
0x21: {  	s3 =	sadd.s32 s3, s9;
	s6 =	sadd.s32 @!p0 $0x88, s6;
	s7 =	simm.s32 @p2 $0x1082  }
0x22: {  	[simem:s7], [sflag:s8] =	dma.local @!p0 [hbm:s6], $0xF7A  }
0x23: {  	s9 =	sor.u32 $0xD0000000, s2;
	s6 =	simm.s32 $0x108;
	_ =	swait.ge @!p0 [sflag:s8], $0x0  }
0x24: {  	s3 =	sadd.s32 $0x88, s3;
	s6 =	simm.s32 @!p1 $0x1082;
	[sflag:s4] =	ssyncset.s32 $0xFFFFF086  }
0x25: {  	[simem:s6], [sflag:s4] =	dma.local [hbm:s3], $0xF7A  }
0x26: {  	[smem:$0x3F9F] =	sst s1;
	(tag) =	ssettag s2;
	_ =	strace s9  }
0x27: {  	s1 =	sld [smem:$0x3FAF]  }
0x28: {  	s2 =	sld [smem:$0x3FB0]  }
0x29: {  	s4 =	sld [smem:$0x3FB2]  }
0x2a: {  	p0 =	seq.s32 s5, $0x0;
	s5 =	sld [smem:$0x3FB3]  }
0x2b: {  	s6 =	sld [smem:$0x3FB4]  }
0x2c: {  	s7 =	sld [smem:$0x3FB5]  }
0x2d: {  	s3 =	simm.s32 $0x108;
	s8 =	sld [smem:$0x3FB6]  }
0x2e: {  	s3 =	simm.s32 @!p0 $0x1082;
	s9 =	sld [smem:$0x3FB7]  }
0x2f: {  	lr =	sadd.s32 s0, s3;
	s0 =	sld [smem:$0x3FAE]  }
0x30: {  	s3 =	sld [smem:$0x3FB1]  }
0x31: {  	[smem:$0x3FBA] =	sst s10  }
0x32: {  	s10 =	sld [smem:$0x3FB8];
	_ =	sdelay $0x3  }
0x33: {  	p0 =	seq.s32 s10, $0x1;
	s10 =	sld [smem:$0x3FBA];
	_ =	sdelay $0x3  }
0x34: {  	[smem:$0x3FBA] =	sst s10  }
0x35: {  	s10 =	sld [smem:$0x3FB9];
	_ =	sdelay $0x3  }
0x36: {  	p1 =	seq.s32 s10, $0x1;
	s10 =	sld [smem:$0x3FBA];
	_ =	sdelay $0x3  }
0x37: {  	[smem:$0x3FBA] =	sst s10  }
0x38: {  	s10 =	sld [smem:$0x3FBB]  }
0x39: {  	_ = 	snop;
	(pc) =	sbr.ind lr, $3  }
0x3a: {  	_ = 	snop  }
0x3b: {  	_ = 	snop  }
0x3c: {  	p2 =	seq.s32 s10, $0x1;
	s10 =	sld [smem:$0x3FBA]  }
0x3d: {  	_ =	shalt  }
0x3e: {  	_ =	shalt  }
0x3f: {  	_ =	shalt  }
0x40: {  	_ =	shalt  }
0x41: {  	_ =	shalt  }
0x42: {  	_ =	shalt  }
0x43: {  	_ =	shalt  }
0x44: {  	_ =	shalt  }
0x45: {  	_ =	shalt  }
0x46: {  	_ =	shalt  }
0x47: {  	_ =	shalt  }
0x48: {  	_ =	shalt  }
0x49: {  	_ =	shalt  }
0x4a: {  	_ =	shalt  }
0x4b: {  	_ =	shalt  }
0x4c: {  	_ =	shalt  }
0x4d: {  	_ =	shalt  }
0x4e: {  	_ =	shalt  }
0x4f: {  	_ =	shalt  }
0x50: {  	_ =	shalt  }
0x51: {  	_ =	shalt  }
0x52: {  	_ =	shalt  }
0x53: {  	_ =	shalt  }
0x54: {  	_ =	shalt  }
0x55: {  	_ =	shalt  }
0x56: {  	_ =	shalt  }
0x57: {  	_ =	shalt  }
0x58: {  	_ =	shalt  }
0x59: {  	_ =	shalt  }
0x5a: {  	_ =	shalt  }
0x5b: {  	_ =	shalt  }
0x5c: {  	_ =	shalt  }
0x5d: {  	_ =	shalt  }
0x5e: {  	_ =	shalt  }
0x5f: {  	_ =	shalt  }
0x60: {  	_ =	shalt  }
0x61: {  	_ =	shalt  }
0x62: {  	_ =	shalt  }
0x63: {  	_ =	shalt  }
0x64: {  	_ =	shalt  }
0x65: {  	_ =	shalt  }
0x66: {  	_ =	shalt  }
0x67: {  	_ =	shalt  }
0x68: {  	_ =	shalt  }
0x69: {  	_ =	shalt  }
0x6a: {  	_ =	shalt  }
0x6b: {  	_ =	shalt  }
0x6c: {  	_ =	shalt  }
0x6d: {  	_ =	shalt  }
0x6e: {  	_ =	shalt  }
0x6f: {  	_ =	shalt  }
0x70: {  	_ =	shalt  }
0x71: {  	_ =	shalt  }
0x72: {  	_ =	shalt  }
0x73: {  	_ =	shalt  }
0x74: {  	_ =	shalt  }
0x75: {  	_ =	shalt  }
0x76: {  	_ =	shalt  }
0x77: {  	_ =	shalt  }
0x78: {  	_ =	shalt  }
0x79: {  	_ =	shalt  }
0x7a: {  	_ =	shalt  }
0x7b: {  	_ =	shalt  }
0x7c: {  	_ =	shalt  }
0x7d: {  	_ =	shalt  }
0x7e: {  	_ =	shalt  }
0x7f: {  	_ =	shalt  }
0x80: {  	_ =	shalt  }
0x81: {  	_ =	shalt  }
0x82: {  	_ =	shalt  }
0x83: {  	_ =	shalt  }
0x84: {  	_ =	shalt  }
0x85: {  	_ =	shalt  }
0x86: {  	_ =	shalt  }
0x87: {  	_ =	shalt  }
.Lfunc_end0:
.L_simem_size_0:
called_computation_lowered:
.L_overlay_start_0:
0x88: {  	s2 =	sld [smem:$0x3FD9]  }
0x89: {  	s3 =	sld [smem:$0x3FFE];
	_ =	sdelay $0x1  }
0x8a: {  	s1 =	srdreg.scid  }
0x8b: {  	s0 =	sand.u32 $0x1, s1  }
0x8c: {  	s17 =	sshll.u32 s0, $0xA;
	s2 =	sadd.s32 s3, s2  }
0x8d: {  	s2 =	sadd.s32 s2, s17  }
0x8e: {  	[smem:$0x3FC6] =	sst s2  }
0x8f: {  	_ = 	snop  }
0x90: {  	s2 =	sld [smem:$0x3FC9];
	(tm) =	ssettm $0x1  }
0x91: {  	s18 =	sld [smem:$0x3FFB];
	_ =	sdelay $0x3  }
0x92: {  	_ =	strace s18  }
0x93: {  	s3 =	sld [smem:$0x3FFC];
	_ =	sdelay $0x3  }
0x94: {  	_ =	strace s3  }
0x95: {  	s3 =	sld [smem:$0x3FFD];
	_ =	sdelay $0x3  }
0x96: {  	_ =	strace s3  }
0x97: {  	_ =	strace $0x8FFFFFFF  }
0x98: {  	s19 =	sld [smem:$0x3FDB];
	_ =	sdelay $0x1  }
0x99: {  	s4 =	simm.s32 $_scs_section_size  }
0x9a: {  	s5 =	simm.s32 $_size__tile_overlayer_lowered;
	s6 =	simm.s32 $_tile_overlayer_lowered  }
0x9b: {  	s22 =	simm.s32 $0x1BFF;
	s21 =	sshll.u32 s6, $0x1;
	s3 =	sadd.s32 s4, s19  }
0x9c: {  	s7 =	simm.s32 $0x0;
	s20 =	sshll.u32 s5, $0x1;
	s5 =	sadd.s32 s21, s3  }
0x9d: {  	[timem:s7], [sflag:s22] =	dma.local [hbm:s5], s20  }
0x9e: {  	_ =	swait.ge [sflag:s22], s20  }
0x9f: {  	s4 =	ssub.s32 $0x0, s20;
	[sflag:s22] =	ssyncset.done $0x0  }
0xa0: {  	[sflag:s22] =	ssyncadd.s32 s4;
	_ =	sdelay $0x1  }
0xa1: {  	s23 =	simm.s32 $0x1B8B  }
0xa2: {  	_ =	swait.ge [sflag:s23], $0x1  }
0xa3: {  	[sflag:s23] =	ssyncset.done $0x0  }
0xa4: {  	s25 =	simm.s32 $0x1B8E;
	s24 =	sld [smem:$0x3FFE];
	[sflag:s23] =	ssyncadd.s32 $0xFFFFFFFF  }
0xa5: {  	s26 =	simm.s32 $execute0_lowered;
	[smem:$0x3FD2] =	sst s25  }
0xa6: {  	s5 =	sshll.u32 s26, $0x1;
	_ =	strace $0x80000046;
	[dreg:$0x1] =	wrdreg $0xFFFFFFFF  }
0xa7: {  	s28 =	simm.s32 $_size_execute0_lowered;
	s3 =	sadd.s32 s3, s5;
	[dreg:$0x0] =	wrdreg $0x0  }
0xa8: {  	s5 =	sshll.u32 s28, $0x1;
	[dreg:$0x2] =	wrdreg s3  }
0xa9: {  	[dreg:$0x3] =	wrdreg s5  }
0xaa: {  	[dreg:$0x4] =	wrdreg $0xC0  }
0xab: {  	_ =	task [dreg:s7], $0x5FFFF  }
0xac: {  	[dreg:$0x1] =	wrdreg $0xFFFFFFFF  }
0xad: {  	[dreg:$0x0] =	wrdreg $0x60  }
0xae: {  	[dreg:$0x2] =	wrdreg s2  }
0xaf: {  	[dreg:$0x3] =	wrdreg s24  }
0xb0: {  	[dreg:$0x4] =	wrdreg $0x9  }
0xb1: {  	_ =	task.clear_ibuf [dreg:s7], $0x5FFFF;
	_ =	strace $0x90000046  }
0xb2: {  	s29 =	simm.s32 $0x9;
	_ =	strace $0x80000048  }
0xb3: {  	_ =	swait.ge [sflag:s29], $0x1  }
0xb4: {  	[sflag:s29] =	ssyncadd.s32 $0xFFFFFFFF  }
0xb5: {  	_ =	strace $0x90000048  }
0xb6: {  	_ =	sfence  }
0xb7: {  	s30 =	sld [smem:$0x0];
	_ =	sdelay $0x2  }
0xb8: {  	s31 =	sshll.u32 s1, $0xD;
	s1 =	sshrl.u32 s1, $0x2  }
0xb9: {  	s3 =	sand.u32 $0x4000, s31;
	s1 =	sadd.s32 s1, s30  }
0xba: {  	s0 =	sor.u32 s3, s0;
	s1 =	sshll.u32 s1, $0x11  }
0xbb: {  	s0 =	sor.u32 s1, s0  }
0xbc: {  	s0 =	sadd.s32 $0x8F2B, s0  }
0xbd: {  	[sflag:s0] =	ssyncadd.remote.s32 $0x1  }
0xbe: {  	_ =	sfence.sel $0xFFFF  }
0xbf: {  	[dreg:$0x0] =	wrdreg $0xFFFFFFFF;
	(pc) =	sbr.abs _section_cstart, $3  }
0xc0: {  	[dreg:$0x1] =	wrdreg $0xFFFFFFFF  }
0xc1: {  	_ =	task.clear_ibuf [dreg:s7], $0x2FFFF;
	_ =	strace $0x9FFFFFFF  }
0xc2: {  	(tm) =	ssettm $0x7FFFFFFF  }
0xc3: {  	_ =	shalt  }
tec
execute0_lowered:
.L_overlay_start_1:
0x0: {  	(tag) =	ssettag $0x1  }
0x1: {  	s1 =	srdreg.scid;
	s0 =	stileid.u32  }
0x2: {  	s2 =	rddreg [dreg:$0x0];
	s17 =	sand.u32 $0x1, s1;
	s18 =	sshll.u32 s0, $0x1  }
0x3: {  	s16 =	rddreg [dreg:$0x1];
	s15 =	sor.u32 s17, s18  }
0x4: {  	s3 =	simm.s32 $0x0;
	s1 =	rddreg [dreg:$0x2];
	s4 =	sshll.u32 s15, $0x4  }
0x5: {  	[smem:$0x7FF] =	sst s3;
	s6 =	sadd.s32 s4, s16  }
0x6: {  	_ =	strace $0x80000047;
	s4 =	simm.s32 $0x3;
	s5 =	sadd.s32 $0x1200, s6  }
0x7: {  	[tilespmem:s3], [sflag:$0x3] =	stream.linear.gather [hbm4b:s5+s3], $0x80, $0x38;
	[tilespmem:$0x8300] =	vst v63  }
0x8: {  	s7 =	sshll.u32 s15, $0x7;
	_ =	swait.ge [sflag:s4], $0x80  }
0x9: {  	v15 =	vlaneseq.u32;
	s8 =	sor.u32 $0x70, s7;
	[sflag:s4] =	ssyncset.done $0x0  }
0xa: {  	s9 =	sor.u32 $0x60, s7;
	v0 =	vor.u32 s8, v15;
	[sflag:s4] =	ssyncadd.s32 $0xFFFFFF80  }
0xb: {  	s19 =	sor.u32 $0x50, s7;
	v1 =	vor.u32 s9, v15;
	v7 =	vld [tilespmem:$0x70];
	[tilespmem:$0x270] =	vst v0  }
0xc: {  	s20 =	sor.u32 $0x40, s7;
	v2 =	vor.u32 s19, v15;
	v8 =	vld [tilespmem:$0x60];
	[tilespmem:$0x260] =	vst v1  }
0xd: {  	s21 =	sor.u32 $0x30, s7;
	v3 =	vor.u32 s20, v15;
	[tilespmem:$0x250] =	vst v2  }
0xe: {  	s22 =	sor.u32 $0x20, s7;
	v4 =	vor.u32 s21, v15;
	v9 =	vld [tilespmem:$0x10];
	[tilespmem:$0x240] =	vst v3  }
0xf: {  	s23 =	sor.u32 $0x10, s7;
	v5 =	vor.u32 s22, v15;
	v10 =	vld [tilespmem:$0x0];
	[tilespmem:$0x230] =	vst v4  }
0x10: {  	v6 =	vor.u32 s23, v15;
	[tilespmem:$0x220] =	vst v5;
	v11 =	vld [tilespmem:$0x40];
	vm0 =	vlt.s32 v7, $0x1869F  }
0x11: {  	v12 =	vld [tilespmem:$0x20];
	[tilespmem:$0x210] =	vst v6;
	vm1 =	vlt.s32 v8, $0x1869F;
	v7 =	vnsel vm0, $0x1869F, v7  }
0x12: {  	v13 =	vld [tilespmem:$0x50];
	v8 =	vnsel vm1, $0x1869F, v8;
	[tilespmem:$0x170] =	vst v7  }
0x13: {  	v14 =	vld [tilespmem:$0x30];
	vm10 =	vlt.s32 v9, $0x1869F;
	v7 =	vor.u32 s7, v15;
	[tilespmem:$0x160] =	vst v8  }
0x14: {  	vm11 =	vlt.s32 v10, $0x1869F;
	v8 =	vnsel vm10, $0x1869F, v9;
	[tilespmem:$0x200] =	vst v7  }
0x15: {  	vm12 =	vlt.s32 v11, $0x1869F;
	v9 =	vnsel vm11, $0x1869F, v10;
	[tilespmem:$0x110] =	vst v8  }
0x16: {  	vm13 =	vlt.s32 v12, $0x1869F;
	[tilespmem:$0x100] =	vst v9;
	v8 =	vnsel vm12, $0x1869F, v11  }
0x17: {  	vm14 =	vlt.s32 v13, $0x1869F;
	v9 =	vnsel vm13, $0x1869F, v12;
	[tilespmem:$0x140] =	vst v8  }
0x18: {  	vm15 =	vlt.s32 v14, $0x1869F;
	[tilespmem:$0x120] =	vst v9;
	v8 =	vnsel vm14, $0x1869F, v13  }
0x19: {  	s10 =	simm.s32 $0x80;
	v9 =	vnsel vm15, $0x1869F, v14;
	[tilespmem:$0x150] =	vst v8  }
0x1a: {  	s11 =	simm.s32 $0x100;
	p0 =	sgt.u32 s0, $0x3;
	s8 =	simm.s32 $0x300;
	[tilespmem:$0x130] =	vst v9  }
0x1b: {  	[tilespmem:s8], [sflag:$0x1] =	stream.indirect.gather [hbm4b:s2+s10], $0x80, s11, s10, $0xb8;
	[tilespmem:$0x8300] =	vst v63  }
0x1c: {  	s13 =	simm.s32 $0x200;
	s14 =	simm.s32 @!p0 $0x80;
	s9 =	sadd.s32 $0x1600, s16  }
0x1d: {  	[hbm4b:s9+s10] =	stream.indirect.scatter [tilespmem:s13], [sflag:$0x2], $0x1, s3, s10, $0xb8;
	[tilespmem:$0x8300] =	vst v63  }
0x1e: {  	s12 =	sadd.s32 $0x1400, s6;
	s6 =	simm.s32 @!p0 $0x3;
	s7 =	simm.s32 @!p0 $0x0  }
0x1f: {  	[tilespmem:s14], [sflag:$0x3] =	stream.linear.gather @!p0 [hbm4b:s12+s7], $0x80, $0x38;
	[tilespmem:$0x8300] =	vst v63  }
0x20: {  	s19 =	sor.u32 $0x20, s15;
	_ =	swait.ge @!p0 [sflag:s6], $0x80  }
0x21: {  	s18 =	sshll.u32 s19, $0x7;
	[sflag:s6] =	ssyncset.done @!p0 $0x0  }
0x22: {  	s20 =	sor.u32 $0x10, s18;
	v8 =	vor.u32 s18, v15;
	[sflag:s6] =	ssyncadd.s32 @!p0 $0xFFFFFF80  }
0x23: {  	s24 =	sor.u32 $0x20, s18;
	v9 =	vor.u32 s20, v15;
	[tilespmem:$0x280] =	vst @!p0 v8  }
0x24: {  	s25 =	sor.u32 $0x30, s18;
	v10 =	vor.u32 s24, v15;
	v16 =	vld @!p0 [tilespmem:$0xF0];
	[tilespmem:$0x290] =	vst @!p0 v9  }
0x25: {  	s26 =	sor.u32 $0x40, s18;
	v11 =	vor.u32 s25, v15;
	v17 =	vld @!p0 [tilespmem:$0x80];
	[tilespmem:$0x2A0] =	vst @!p0 v10  }
0x26: {  	s28 =	sor.u32 $0x50, s18;
	v12 =	vor.u32 s26, v15;
	v18 =	vld @!p0 [tilespmem:$0xA0];
	[tilespmem:$0x2B0] =	vst @!p0 v11  }
0x27: {  	s29 =	sor.u32 $0x60, s18;
	v13 =	vor.u32 s28, v15;
	[tilespmem:$0x2C0] =	vst @!p0 v12;
	v22 =	vld @!p0 [tilespmem:$0xB0]  }
0x28: {  	v14 =	vor.u32 s29, v15;
	s18 =	sor.u32 $0x70, s18;
	v19 =	vld @!p0 [tilespmem:$0xC0];
	[tilespmem:$0x2D0] =	vst @!p0 v13  }
0x29: {  	v15 =	vor.u32 s18, v15;
	v20 =	vld @!p0 [tilespmem:$0xD0];
	[tilespmem:$0x2E0] =	vst @!p0 v14;
	vm0 =	vlt.s32 @!p0 v16, $0x1869F  }
0x2a: {  	v21 =	vld @!p0 [tilespmem:$0x90];
	[tilespmem:$0x2F0] =	vst @!p0 v15;
	vm1 =	vlt.s32 @!p0 v17, $0x1869F;
	v16 =	vnsel @!p0 vm0, $0x1869F, v16  }
0x2b: {  	v17 =	vnsel @!p0 vm1, $0x1869F, v17;
	vm0 =	vlt.s32 @!p0 v18, $0x1869F;
	[tilespmem:$0x1F0] =	vst @!p0 v16;
	v16 =	vld @!p0 [tilespmem:$0xE0]  }
0x2c: {  	vm1 =	vlt.s32 @!p0 v22, $0x1869F;
	[tilespmem:$0x180] =	vst @!p0 v17;
	v17 =	vnsel @!p0 vm0, $0x1869F, v18  }
0x2d: {  	s17 =	ssub.s32 $0x2, s17;
	vm0 =	vlt.s32 @!p0 v19, $0x1869F;
	v18 =	vnsel @!p0 vm1, $0x1869F, v22;
	[tilespmem:$0x1A0] =	vst @!p0 v17  }
0x2e: {  	s30 =	sshrl.u32 s17, $0x1;
	v17 =	vnsel @!p0 vm0, $0x1869F, v19;
	vm0 =	vlt.s32 @!p0 v20, $0x1869F;
	[tilespmem:$0x1B0] =	vst @!p0 v18  }
0x2f: {  	s17 =	ssub.s32 s17, s30;
	[tilespmem:$0x1C0] =	vst @!p0 v17;
	v17 =	vnsel @!p0 vm0, $0x1869F, v20;
	vm0 =	vlt.s32 @!p0 v21, $0x1869F  }
0x30: {  	s23 =	sadd.s32 $0x4800, s16;
	s15 =	sshll.u32 s15, $0xB;
	s17 =	smax.u32 s17, $0x1;
	[tilespmem:$0x1D0] =	vst @!p0 v17;
	v17 =	vnsel @!p0 vm0, $0x1869F, v21;
	vm0 =	vlt.s32 @!p0 v16, $0x1869F  }
0x31: {  	s16 =	sadd.s32 s23, s15;
	s21 =	sadd.s32 $0xFFFFFFFF, s17;
	[tilespmem:$0x190] =	vst @!p0 v17;
	v16 =	vnsel @!p0 vm0, $0x1869F, v16  }
0x32: {  	s15 =	simm.s32 @!p0 $0x4300;
	p1 =	sne.s32 s21, $0x0;
	s20 =	simm.s32 @!p0 $0x180;
	[tilespmem:$0x1E0] =	vst @!p0 v16  }
0x33: {  	[tilespmem:s15], [sflag:$0x1] =	stream.indirect.gather @!p0 [hbm4b:s2+s14], $0x80, s20, s14, $0xb8;
	[tilespmem:$0x8300] =	vst v63  }
.Ltmp0:
0x34: {  	_ = 	snop;
	(pc) =	sbr.rel @!p1 .LBB2_2-.Ltmp0, $4  }
0x35: {  	s22 =	simm.s32 @!p0 $0x280;
	s18 =	simm.s32 $0x1  }
0x36: {  	[hbm4b:s9+s14] =	stream.indirect.scatter @!p0 [tilespmem:s22], [sflag:$0x2], $0x1, s14, s14, $0xb8;
	[tilespmem:$0x8300] =	vst v63  }
0x37: {  	s31 =	sshll.u32 s19, $0xB;
	_ =	swait.ge [sflag:s18], $0x4000  }
0x38: {  	s19 =	simm.s32 $0x2;
	s17 =	sadd.s32 s23, s31;
	[sflag:s18] =	ssyncset.done $0x0  }
.LBB2_1:
0x39: {  	s21 =	sadd.s32 $0xFFFFFFFF, s21;
	[sflag:s18] =	ssyncadd.s32 $0xFFFFC000  }
0x3a: {  	[hbm4b:s16+s3] =	stream.linear.scatter [tilespmem:s8], [sflag:$0x3], $0x4000, $0x38;
	[tilespmem:$0x8300] =	vst v63  }
0x3b: {  	p1 =	sne.s32 s21, $0x0;
	_ =	swait.ge [sflag:s4], $0x4000  }
0x3c: {  	[sflag:s4] =	ssyncset.done $0x0  }
0x3d: {  	[sflag:s4] =	ssyncadd.s32 $0xFFFFC000  }
0x3e: {  	_ =	swait.ge [sflag:s19], $0x80  }
0x3f: {  	[sflag:s19] =	ssyncset.done $0x0  }
0x40: {  	s23 =	simm.s32 @!p0 $0x1;
	[sflag:s19] =	ssyncadd.s32 $0xFFFFFF80  }
0x41: {  	_ =	swait.ge @!p0 [sflag:s23], $0x4000  }
0x42: {  	[sflag:s23] =	ssyncset.done @!p0 $0x0  }
0x43: {  	[sflag:s23] =	ssyncadd.s32 @!p0 $0xFFFFC000  }
0x44: {  	[hbm4b:s17+s7] =	stream.linear.scatter @!p0 [tilespmem:s15], [sflag:$0x3], $0x4000, $0x38;
	[tilespmem:$0x8300] =	vst v63  }
0x45: {  	_ =	swait.ge @!p0 [sflag:s6], $0x4000  }
0x46: {  	[sflag:s6] =	ssyncset.done @!p0 $0x0  }
0x47: {  	s23 =	simm.s32 @!p0 $0x2;
	[sflag:s6] =	ssyncadd.s32 @!p0 $0xFFFFC000  }
0x48: {  	_ =	swait.ge @!p0 [sflag:s23], $0x80  }
0x49: {  	[sflag:s23] =	ssyncset.done @!p0 $0x0  }
0x4a: {  	[sflag:s23] =	ssyncadd.s32 @!p0 $0xFFFFFF80  }
0x4b: {  	[tilespmem:s3], [sflag:$0x3] =	stream.linear.gather [hbm4b:s5+s3], $0x80, $0x38;
	[tilespmem:$0x8300] =	vst v63  }
0x4c: {  	_ =	swait.ge [sflag:s4], $0x80  }
0x4d: {  	[sflag:s4] =	ssyncset.done $0x0  }
0x4e: {  	[sflag:s4] =	ssyncadd.s32 $0xFFFFFF80  }
0x4f: {  	v16 =	vld [tilespmem:$0x70];
	[tilespmem:$0x270] =	vst v0  }
0x50: {  	v17 =	vld [tilespmem:$0x60];
	[tilespmem:$0x260] =	vst v1  }
0x51: {  	v18 =	vld [tilespmem:$0x20];
	[tilespmem:$0x250] =	vst v2  }
0x52: {  	v19 =	vld [tilespmem:$0x10];
	[tilespmem:$0x240] =	vst v3  }
0x53: {  	v20 =	vld [tilespmem:$0x0];
	[tilespmem:$0x230] =	vst v4  }
0x54: {  	[tilespmem:$0x220] =	vst v5;
	v21 =	vld [tilespmem:$0x40];
	vm0 =	vlt.s32 v16, $0x1869F  }
0x55: {  	[tilespmem:$0x210] =	vst v6;
	v22 =	vld [tilespmem:$0x30];
	vm1 =	vlt.s32 v17, $0x1869F;
	v16 =	vnsel vm0, $0x1869F, v16  }
0x56: {  	v23 =	vld [tilespmem:$0x50];
	v17 =	vnsel vm1, $0x1869F, v17;
	[tilespmem:$0x170] =	vst v16  }
0x57: {  	vm0 =	vlt.s32 v19, $0x1869F;
	[tilespmem:$0x160] =	vst v17  }
0x58: {  	vm1 =	vlt.s32 v20, $0x1869F;
	[tilespmem:$0x200] =	vst v7;
	v16 =	vnsel vm0, $0x1869F, v19  }
0x59: {  	vm0 =	vlt.s32 v18, $0x1869F;
	v17 =	vnsel vm1, $0x1869F, v20;
	[tilespmem:$0x110] =	vst v16;
	vm1 =	vlt.s32 v21, $0x1869F  }
0x5a: {  	v16 =	vnsel vm0, $0x1869F, v18;
	[tilespmem:$0x100] =	vst v17;
	vm0 =	vlt.s32 v22, $0x1869F;
	v17 =	vnsel vm1, $0x1869F, v21  }
0x5b: {  	v18 =	vnsel vm0, $0x1869F, v22;
	[tilespmem:$0x140] =	vst v17;
	vm0 =	vlt.s32 v23, $0x1869F  }
0x5c: {  	[tilespmem:$0x120] =	vst v16;
	v16 =	vnsel vm0, $0x1869F, v23  }
0x5d: {  	[tilespmem:$0x150] =	vst v16  }
0x5e: {  	[tilespmem:$0x130] =	vst v18  }
0x5f: {  	[tilespmem:s8], [sflag:$0x1] =	stream.indirect.gather [hbm4b:s2+s10], $0x80, s11, s10, $0xb8;
	[tilespmem:$0x8300] =	vst v63  }
0x60: {  	_ = 	snop  }
0x61: {  	[hbm4b:s9+s10] =	stream.indirect.scatter [tilespmem:s13], [sflag:$0x2], $0x1, s3, s10, $0xb8;
	[tilespmem:$0x8300] =	vst v63  }
0x62: {  	_ = 	snop  }
0x63: {  	[tilespmem:s14], [sflag:$0x3] =	stream.linear.gather @!p0 [hbm4b:s12+s7], $0x80, $0x38;
	[tilespmem:$0x8300] =	vst v63  }
0x64: {  	_ =	swait.ge @!p0 [sflag:s6], $0x80  }
0x65: {  	[sflag:s6] =	ssyncset.done @!p0 $0x0  }
0x66: {  	[sflag:s6] =	ssyncadd.s32 @!p0 $0xFFFFFF80  }
0x67: {  	[tilespmem:$0x280] =	vst @!p0 v8;
	v16 =	vld @!p0 [tilespmem:$0xF0]  }
0x68: {  	v17 =	vld @!p0 [tilespmem:$0x80];
	[tilespmem:$0x290] =	vst @!p0 v9  }
0x69: {  	[tilespmem:$0x2A0] =	vst @!p0 v10;
	v18 =	vld @!p0 [tilespmem:$0xD0]  }
0x6a: {  	v19 =	vld @!p0 [tilespmem:$0xA0];
	[tilespmem:$0x2B0] =	vst @!p0 v11  }
0x6b: {  	v20 =	vld @!p0 [tilespmem:$0xC0];
	[tilespmem:$0x2C0] =	vst @!p0 v12  }
0x6c: {  	[tilespmem:$0x2D0] =	vst @!p0 v13;
	v21 =	vld @!p0 [tilespmem:$0xE0];
	vm0 =	vlt.s32 @!p0 v16, $0x1869F  }
0x6d: {  	vm1 =	vlt.s32 @!p0 v17, $0x1869F;
	v22 =	vld @!p0 [tilespmem:$0xB0];
	[tilespmem:$0x2E0] =	vst @!p0 v14;
	v16 =	vnsel @!p0 vm0, $0x1869F, v16  }
0x6e: {  	v17 =	vnsel @!p0 vm1, $0x1869F, v17;
	v23 =	vld @!p0 [tilespmem:$0x90];
	[tilespmem:$0x1F0] =	vst @!p0 v16  }
0x6f: {  	[tilespmem:$0x180] =	vst @!p0 v17;
	vm0 =	vlt.s32 @!p0 v19, $0x1869F  }
0x70: {  	v16 =	vnsel @!p0 vm0, $0x1869F, v19;
	vm0 =	vlt.s32 @!p0 v20, $0x1869F;
	[tilespmem:$0x2F0] =	vst @!p0 v15  }
0x71: {  	[tilespmem:$0x1A0] =	vst @!p0 v16;
	v16 =	vnsel @!p0 vm0, $0x1869F, v20;
	vm0 =	vlt.s32 @!p0 v18, $0x1869F  }
0x72: {  	[tilespmem:$0x1C0] =	vst @!p0 v16;
	v16 =	vnsel @!p0 vm0, $0x1869F, v18;
	vm0 =	vlt.s32 @!p0 v21, $0x1869F  }
0x73: {  	vm2 =	vlt.s32 @!p0 v22, $0x1869F;
	vm1 =	vlt.s32 @!p0 v23, $0x1869F;
	[tilespmem:$0x1D0] =	vst @!p0 v16;
	v16 =	vnsel @!p0 vm0, $0x1869F, v21  }
0x74: {  	v18 =	vnsel @!p0 vm2, $0x1869F, v22;
	v17 =	vnsel @!p0 vm1, $0x1869F, v23  }
0x75: {  	[tilespmem:$0x190] =	vst @!p0 v17  }
0x76: {  	[tilespmem:$0x1B0] =	vst @!p0 v18  }
0x77: {  	[tilespmem:$0x1E0] =	vst @!p0 v16  }
0x78: {  	[tilespmem:s15], [sflag:$0x1] =	stream.indirect.gather @!p0 [hbm4b:s2+s14], $0x80, s20, s14, $0xb8;
	[tilespmem:$0x8300] =	vst v63  }
.Ltmp1:
0x79: {  	_ = 	snop;
	(pc) =	sbr.rel @p1 .LBB2_1-.Ltmp1, $4  }
0x7a: {  	_ = 	snop  }
0x7b: {  	[hbm4b:s9+s14] =	stream.indirect.scatter @!p0 [tilespmem:s22], [sflag:$0x2], $0x1, s14, s14, $0xb8;
	[tilespmem:$0x8300] =	vst v63  }
0x7c: {  	_ =	swait.ge [sflag:s18], $0x4000  }
0x7d: {  	[sflag:s18] =	ssyncset.done $0x0  }
.LBB2_2:
0x7e: {  	[sflag:s18] =	ssyncadd.s32 $0xFFFFC000  }
0x7f: {  	[hbm4b:s16+s3] =	stream.linear.scatter [tilespmem:s8], [sflag:$0x3], $0x4000, $0x38;
	[tilespmem:$0x8300] =	vst v63  }
0x80: {  	_ =	swait.ge [sflag:s4], $0x4000  }
0x81: {  	[sflag:s4] =	ssyncset.done $0x0  }
0x82: {  	[sflag:s4] =	ssyncadd.s32 $0xFFFFC000  }
0x83: {  	_ =	swait.ge [sflag:s19], $0x80  }
0x84: {  	[sflag:s19] =	ssyncset.done $0x0  }
0x85: {  	s2 =	simm.s32 @!p0 $0x1;
	[sflag:s19] =	ssyncadd.s32 $0xFFFFFF80  }
0x86: {  	_ =	swait.ge @!p0 [sflag:s2], $0x4000  }
0x87: {  	[sflag:s2] =	ssyncset.done @!p0 $0x0  }
0x88: {  	[sflag:s2] =	ssyncadd.s32 @!p0 $0xFFFFC000  }
0x89: {  	[hbm4b:s17+s7] =	stream.linear.scatter @!p0 [tilespmem:s15], [sflag:$0x3], $0x4000, $0x38;
	[tilespmem:$0x8300] =	vst v63  }
0x8a: {  	_ =	swait.ge @!p0 [sflag:s6], $0x4000  }
0x8b: {  	[sflag:s6] =	ssyncset.done @!p0 $0x0  }
0x8c: {  	s2 =	simm.s32 @!p0 $0x2;
	[sflag:s6] =	ssyncadd.s32 @!p0 $0xFFFFC000  }
0x8d: {  	_ =	swait.ge @!p0 [sflag:s2], $0x80  }
0x8e: {  	[sflag:s2] =	ssyncset.done @!p0 $0x0  }
0x8f: {  	[sflag:s2] =	ssyncadd.s32 @!p0 $0xFFFFFF80  }
0x90: {  	_ =	sfence.sel $0x180000  }
0x91: {  	[bflag:$0x0] =	sbarrier.arrive $0xFFFF  }
0x92: {  	p0 =	sne.s32 s0, $0x0;
	_ =	strace $0x90000047  }
0x93: {  	s0 =	sadd.s32 @!p0 $0x100000, s1;
	[bflag:$0x2] =	sbarrier.arrive $0xFFFF  }
0x94: {  	[sflag:s0] =	ssyncadd.tile.s32 @!p0 $0x1;
	_ =	shalt  }
.Lfunc_end2:
_tile_overlayer_lowered:
.L_overlay_start_2:
0x95: {  	(tag) =	ssettag $0x2  }
0x96: {  	s0 =	rddreg [dreg:$0x0];
	s2 =	stileid.u32  }
0x97: {  	s1 =	rddreg [dreg:$0x1];
	p0 =	sne.s32 s2, $0x0  }
0x98: {  	s3 =	rddreg [dreg:$0x2];
	[bflag:$0x3] =	sbarrier.arrive $0xFFFF;
	s2 =	simm.s32 @!p0 $0x1C03  }
0x99: {  	[timem:s3], [sflag:s2] =	dma.local @!p0 [hbm:s0], s1  }
0x9a: {  	s0 =	simm.s32 @!p0 $0x3  }
0x9b: {  	_ =	swait.ge @!p0 [sflag:s0], s1  }
0x9c: {  	s1 =	ssub.s32 @!p0 $0x0, s1;
	[sflag:s0] =	ssyncset.done @!p0 $0x0  }
0x9d: {  	[sflag:s0] =	ssyncadd.s32 @!p0 s1  }
0x9e: {  	[bflag:$0x3] =	sbarrier.arrive $0xFFFF  }
0x9f: {  	_ =	shalt  }

// kernel: kernel.9.cloned.1.call-start
scs
__scs_entry_jumppad:
0x0: {  	(pc) =	sbr.rel $0x88, $3  }
0x1: {  	(tag) =	ssettag $0x0;
	lr =	simm.s32 $0x1  }
0x2: {  	[smem:$0x3F9F] =	sst lr;
	_ =	strace $0xD0000000  }
0x3: {  	_ = 	snop  }
0x4: {  	_ = 	snop  }
0x5: {  	_ = 	snop  }
0x6: {  	_ = 	snop  }
0x7: {  	_ = 	snop  }
__scs_overlays_trampoline_lowered:
0x8: {  	[smem:$0x3FAE] =	sst s0  }
0x9: {  	[smem:$0x3FAF] =	sst s1  }
0xa: {  	[smem:$0x3FB0] =	sst s2  }
0xb: {  	[smem:$0x3FB1] =	sst s3  }
0xc: {  	[smem:$0x3FB2] =	sst s4  }
0xd: {  	[smem:$0x3FB3] =	sst s5  }
0xe: {  	[smem:$0x3FB4] =	sst s6  }
0xf: {  	[smem:$0x3FB5] =	sst s7  }
0x10: {  	[smem:$0x3FB6] =	sst s8  }
0x11: {  	[smem:$0x3FB7] =	sst s9;
	s0 =	simm.s32 @!p0 $0x0  }
0x12: {  	s1 =	sld [smem:$0x3F9D];
	s0 =	simm.s32 @p0 $0x1  }
0x13: {  	[smem:$0x3FB8] =	sst s0;
	s0 =	simm.s32 @!p1 $0x0  }
0x14: {  	s2 =	sld [smem:$0x3F9C];
	s0 =	simm.s32 @p1 $0x1  }
0x15: {  	[smem:$0x3FB9] =	sst s0;
	s0 =	simm.s32 @!p2 $0x0  }
0x16: {  	s3 =	sld [smem:$0x3FDB];
	s0 =	simm.s32 @p2 $0x1  }
0x17: {  	s4 =	simm.s32 $0x1BF5;
	[smem:$0x3FBB] =	sst s0  }
0x18: {  	s0 =	sld [smem:$0x3F9E];
	_ =	swait.ge [sflag:s4], $0x0  }
0x19: {  	s7 =	sld [smem:$0x3F9F]  }
0x1a: {  	s8 =	sadd.s32 $0xFFFFE003, lr  }
0x1b: {  	s9 =	sadd.s32 $0xFFFFFEF7, lr;
	s5 =	simm.s32 $0xFFFFFFFF;
	p2 =	slt.u32 s8, $0xFFFFF086  }
0x1c: {  	p1 =	slt.u32 s9, $0xF7A;
	s5 =	simm.s32 @!p2 $0x0  }
0x1d: {  	s5 =	simm.s32 @p1 $0x1;
	p0 =	seq.s32 s7, s2  }
0x1e: {  	s7 =	smul.u32 @!p0 $0xF7A, s2;
	p2 =	seq.s32 @!p0 s5, $0x0  }
0x1f: {  	s9 =	smul.u32 $0xF7A, s1;
	s8 =	simm.s32 @!p0 $0x1BF5;
	p2 =	por !p2, p0  }
0x20: {  	[sflag:s8] =	ssyncset.s32 @!p0 $0xFFFFF086;
	s6 =	sadd.s32 @!p0 s3, s7;
	s7 =	simm.s32 @!p0 $0x108  }
0x21: {  	s3 =	sadd.s32 s3, s9;
	s6 =	sadd.s32 @!p0 $0x88, s6;
	s7 =	simm.s32 @p2 $0x1082  }
0x22: {  	[simem:s7], [sflag:s8] =	dma.local @!p0 [hbm:s6], $0xF7A  }
0x23: {  	s9 =	sor.u32 $0xD0000000, s2;
	s6 =	simm.s32 $0x108;
	_ =	swait.ge @!p0 [sflag:s8], $0x0  }
0x24: {  	s3 =	sadd.s32 $0x88, s3;
	s6 =	simm.s32 @!p1 $0x1082;
	[sflag:s4] =	ssyncset.s32 $0xFFFFF086  }
0x25: {  	[simem:s6], [sflag:s4] =	dma.local [hbm:s3], $0xF7A  }
0x26: {  	[smem:$0x3F9F] =	sst s1;
	(tag) =	ssettag s2;
	_ =	strace s9  }
0x27: {  	s1 =	sld [smem:$0x3FAF]  }
0x28: {  	s2 =	sld [smem:$0x3FB0]  }
0x29: {  	s4 =	sld [smem:$0x3FB2]  }
0x2a: {  	p0 =	seq.s32 s5, $0x0;
	s5 =	sld [smem:$0x3FB3]  }
0x2b: {  	s6 =	sld [smem:$0x3FB4]  }
0x2c: {  	s7 =	sld [smem:$0x3FB5]  }
0x2d: {  	s3 =	simm.s32 $0x108;
	s8 =	sld [smem:$0x3FB6]  }
0x2e: {  	s3 =	simm.s32 @!p0 $0x1082;
	s9 =	sld [smem:$0x3FB7]  }
0x2f: {  	lr =	sadd.s32 s0, s3;
	s0 =	sld [smem:$0x3FAE]  }
0x30: {  	s3 =	sld [smem:$0x3FB1]  }
0x31: {  	[smem:$0x3FBA] =	sst s10  }
0x32: {  	s10 =	sld [smem:$0x3FB8];
	_ =	sdelay $0x3  }
0x33: {  	p0 =	seq.s32 s10, $0x1;
	s10 =	sld [smem:$0x3FBA];
	_ =	sdelay $0x3  }
0x34: {  	[smem:$0x3FBA] =	sst s10  }
0x35: {  	s10 =	sld [smem:$0x3FB9];
	_ =	sdelay $0x3  }
0x36: {  	p1 =	seq.s32 s10, $0x1;
	s10 =	sld [smem:$0x3FBA];
	_ =	sdelay $0x3  }
0x37: {  	[smem:$0x3FBA] =	sst s10  }
0x38: {  	s10 =	sld [smem:$0x3FBB]  }
0x39: {  	_ = 	snop;
	(pc) =	sbr.ind lr, $3  }
0x3a: {  	_ = 	snop  }
0x3b: {  	_ = 	snop  }
0x3c: {  	p2 =	seq.s32 s10, $0x1;
	s10 =	sld [smem:$0x3FBA]  }
0x3d: {  	_ =	shalt  }
0x3e: {  	_ =	shalt  }
0x3f: {  	_ =	shalt  }
0x40: {  	_ =	shalt  }
0x41: {  	_ =	shalt  }
0x42: {  	_ =	shalt  }
0x43: {  	_ =	shalt  }
0x44: {  	_ =	shalt  }
0x45: {  	_ =	shalt  }
0x46: {  	_ =	shalt  }
0x47: {  	_ =	shalt  }
0x48: {  	_ =	shalt  }
0x49: {  	_ =	shalt  }
0x4a: {  	_ =	shalt  }
0x4b: {  	_ =	shalt  }
0x4c: {  	_ =	shalt  }
0x4d: {  	_ =	shalt  }
0x4e: {  	_ =	shalt  }
0x4f: {  	_ =	shalt  }
0x50: {  	_ =	shalt  }
0x51: {  	_ =	shalt  }
0x52: {  	_ =	shalt  }
0x53: {  	_ =	shalt  }
0x54: {  	_ =	shalt  }
0x55: {  	_ =	shalt  }
0x56: {  	_ =	shalt  }
0x57: {  	_ =	shalt  }
0x58: {  	_ =	shalt  }
0x59: {  	_ =	shalt  }
0x5a: {  	_ =	shalt  }
0x5b: {  	_ =	shalt  }
0x5c: {  	_ =	shalt  }
0x5d: {  	_ =	shalt  }
0x5e: {  	_ =	shalt  }
0x5f: {  	_ =	shalt  }
0x60: {  	_ =	shalt  }
0x61: {  	_ =	shalt  }
0x62: {  	_ =	shalt  }
0x63: {  	_ =	shalt  }
0x64: {  	_ =	shalt  }
0x65: {  	_ =	shalt  }
0x66: {  	_ =	shalt  }
0x67: {  	_ =	shalt  }
0x68: {  	_ =	shalt  }
0x69: {  	_ =	shalt  }
0x6a: {  	_ =	shalt  }
0x6b: {  	_ =	shalt  }
0x6c: {  	_ =	shalt  }
0x6d: {  	_ =	shalt  }
0x6e: {  	_ =	shalt  }
0x6f: {  	_ =	shalt  }
0x70: {  	_ =	shalt  }
0x71: {  	_ =	shalt  }
0x72: {  	_ =	shalt  }
0x73: {  	_ =	shalt  }
0x74: {  	_ =	shalt  }
0x75: {  	_ =	shalt  }
0x76: {  	_ =	shalt  }
0x77: {  	_ =	shalt  }
0x78: {  	_ =	shalt  }
0x79: {  	_ =	shalt  }
0x7a: {  	_ =	shalt  }
0x7b: {  	_ =	shalt  }
0x7c: {  	_ =	shalt  }
0x7d: {  	_ =	shalt  }
0x7e: {  	_ =	shalt  }
0x7f: {  	_ =	shalt  }
0x80: {  	_ =	shalt  }
0x81: {  	_ =	shalt  }
0x82: {  	_ =	shalt  }
0x83: {  	_ =	shalt  }
0x84: {  	_ =	shalt  }
0x85: {  	_ =	shalt  }
0x86: {  	_ =	shalt  }
0x87: {  	_ =	shalt  }
.Lfunc_end0:
.L_simem_size_0:
called_computation.1_lowered:
.L_overlay_start_0:
0x88: {  	s2 =	sld [smem:$0x3FD9]  }
0x89: {  	s3 =	sld [smem:$0x3FFE];
	_ =	sdelay $0x1  }
0x8a: {  	s1 =	srdreg.scid  }
0x8b: {  	s0 =	sand.u32 $0x1, s1  }
0x8c: {  	s16 =	sshll.u32 s0, $0xA;
	s2 =	sadd.s32 s3, s2  }
0x8d: {  	s2 =	sadd.s32 s2, s16  }
0x8e: {  	[smem:$0x3FC6] =	sst s2  }
0x8f: {  	_ = 	snop  }
0x90: {  	(tm) =	ssettm $0x1  }
0x91: {  	s17 =	sld [smem:$0x3FFB];
	_ =	sdelay $0x3  }
0x92: {  	_ =	strace s17  }
0x93: {  	s2 =	sld [smem:$0x3FFC];
	_ =	sdelay $0x3  }
0x94: {  	_ =	strace s2  }
0x95: {  	s2 =	sld [smem:$0x3FFD];
	_ =	sdelay $0x3  }
0x96: {  	_ =	strace s2  }
0x97: {  	_ =	strace $0x8FFFFFFF  }
0x98: {  	s18 =	sld [smem:$0x3FDB];
	_ =	sdelay $0x1  }
0x99: {  	s19 =	simm.s32 $_scs_section_size  }
0x9a: {  	s4 =	simm.s32 $_size__tile_overlayer_lowered;
	s5 =	simm.s32 $_tile_overlayer_lowered  }
0x9b: {  	s22 =	simm.s32 $0x1BFF;
	s21 =	sshll.u32 s5, $0x1;
	s2 =	sadd.s32 s19, s18  }
0x9c: {  	s6 =	simm.s32 $0x0;
	s20 =	sshll.u32 s4, $0x1;
	s4 =	sadd.s32 s21, s2  }
0x9d: {  	[timem:s6], [sflag:s22] =	dma.local [hbm:s4], s20  }
0x9e: {  	_ =	swait.ge [sflag:s22], s20  }
0x9f: {  	s3 =	ssub.s32 $0x0, s20;
	[sflag:s22] =	ssyncset.done $0x0  }
0xa0: {  	[sflag:s22] =	ssyncadd.s32 s3;
	_ =	sdelay $0x1  }
0xa1: {  	s23 =	simm.s32 $0x1B8B  }
0xa2: {  	_ =	swait.ge [sflag:s23], $0x1  }
0xa3: {  	[sflag:s23] =	ssyncset.done $0x0  }
0xa4: {  	s25 =	simm.s32 $0x1B8E;
	s24 =	sld [smem:$0x3FFE];
	[sflag:s23] =	ssyncadd.s32 $0xFFFFFFFF  }
0xa5: {  	s26 =	simm.s32 $execute0_lowered;
	[smem:$0x3FD2] =	sst s25  }
0xa6: {  	s4 =	sshll.u32 s26, $0x1;
	_ =	strace $0x80000049;
	[dreg:$0x1] =	wrdreg $0xFFFFFFFF  }
0xa7: {  	s28 =	simm.s32 $_size_execute0_lowered;
	s2 =	sadd.s32 s2, s4;
	[dreg:$0x0] =	wrdreg $0x0  }
0xa8: {  	s4 =	sshll.u32 s28, $0x1;
	[dreg:$0x2] =	wrdreg s2  }
0xa9: {  	[dreg:$0x3] =	wrdreg s4  }
0xaa: {  	[dreg:$0x4] =	wrdreg $0xC0  }
0xab: {  	_ =	task [dreg:s6], $0x5FFFF  }
0xac: {  	[dreg:$0x1] =	wrdreg $0xFFFFFFFF  }
0xad: {  	[dreg:$0x0] =	wrdreg $0x60  }
0xae: {  	[dreg:$0x2] =	wrdreg s24  }
0xaf: {  	[dreg:$0x3] =	wrdreg $0x9  }
0xb0: {  	_ =	task.clear_ibuf [dreg:s6], $0x4FFFF;
	_ =	strace $0x90000049  }
0xb1: {  	s29 =	simm.s32 $0x9;
	_ =	strace $0x8000004B  }
0xb2: {  	_ =	swait.ge [sflag:s29], $0x1  }
0xb3: {  	[sflag:s29] =	ssyncadd.s32 $0xFFFFFFFF  }
0xb4: {  	_ =	strace $0x9000004B  }
0xb5: {  	_ =	sfence  }
0xb6: {  	s30 =	sld [smem:$0x0];
	_ =	sdelay $0x2  }
0xb7: {  	s31 =	sshll.u32 s1, $0xD;
	s1 =	sshrl.u32 s1, $0x2  }
0xb8: {  	s3 =	sand.u32 $0x4000, s31;
	s1 =	sadd.s32 s1, s30  }
0xb9: {  	s0 =	sor.u32 s3, s0;
	s1 =	sshll.u32 s1, $0x11  }
0xba: {  	s0 =	sor.u32 s1, s0  }
0xbb: {  	s0 =	sadd.s32 $0x8F2B, s0  }
0xbc: {  	[sflag:s0] =	ssyncadd.remote.s32 $0x1  }
0xbd: {  	_ =	sfence.sel $0xFFFF  }
0xbe: {  	[dreg:$0x0] =	wrdreg $0xFFFFFFFF;
	(pc) =	sbr.abs _section_cstart, $3  }
0xbf: {  	[dreg:$0x1] =	wrdreg $0xFFFFFFFF  }
0xc0: {  	_ =	task.clear_ibuf [dreg:s6], $0x2FFFF;
	_ =	strace $0x9FFFFFFF  }
0xc1: {  	(tm) =	ssettm $0x7FFFFFFF  }
tec
execute0_lowered:
.L_overlay_start_1:
0x0: {  	(tag) =	ssettag $0x1  }
0x1: {  	s1 =	srdreg.scid  }
0x2: {  	s0 =	stileid.u32;
	s16 =	sand.u32 $0x1, s1  }
0x3: {  	s5 =	rddreg [dreg:$0x0];
	s3 =	sshll.u32 s0, $0x5;
	s4 =	sshll.u32 s16, $0x4  }
0x4: {  	s2 =	simm.s32 $0x0;
	s1 =	rddreg [dreg:$0x1];
	s3 =	sor.u32 s4, s3  }
0x5: {  	[smem:$0x7FF] =	sst s2;
	s17 =	sadd.s32 s3, s5  }
0x6: {  	_ =	strace $0x8000004A;
	s3 =	simm.s32 $0x2;
	s4 =	sadd.s32 $0x1200, s17  }
0x7: {  	[tilespmem:s2], [sflag:$0x2] =	stream.linear.gather [hbm4b:s4+s2], $0x80, $0x38;
	[tilespmem:$0x200] =	vst v63  }
0x8: {  	s7 =	simm.s32 $0x80;
	_ =	swait.ge [sflag:s3], $0x80  }
0x9: {  	s8 =	simm.s32 $0x100;
	p0 =	sgt.u32 s0, $0x3;
	[sflag:s3] =	ssyncset.done $0x0  }
0xa: {  	s9 =	simm.s32 @!p0 $0x0;
	s5 =	sadd.s32 $0x1600, s5;
	[sflag:s3] =	ssyncadd.s32 $0xFFFFFF80  }
0xb: {  	[tilespmem:s8], [sflag:$0x1] =	stream.indirect.gather [hbm4b:s5+s7], $0x1, s2, s7, $0xb8;
	[tilespmem:$0x200] =	vst v63  }
0xc: {  	s10 =	simm.s32 @!p0 $0x80;
	s11 =	simm.s32 @!p0 $0x2;
	s6 =	sadd.s32 $0x1400, s17  }
0xd: {  	[tilespmem:s10], [sflag:$0x2] =	stream.linear.gather @!p0 [hbm4b:s6+s9], $0x80, $0x38;
	[tilespmem:$0x200] =	vst v63  }
0xe: {  	_ =	swait.ge @!p0 [sflag:s11], $0x80  }
0xf: {  	[sflag:s11] =	ssyncset.done @!p0 $0x0  }
0x10: {  	s12 =	simm.s32 @!p0 $0x180;
	s13 =	simm.s32 @!p0 $0x1;
	[sflag:s11] =	ssyncadd.s32 @!p0 $0xFFFFFF80  }
0x11: {  	[tilespmem:s12], [sflag:$0x1] =	stream.indirect.gather @!p0 [hbm4b:s5+s10], $0x1, s10, s10, $0xb8;
	[tilespmem:$0x200] =	vst v63  }
0x12: {  	_ =	swait.ge @!p0 [sflag:s13], $0x80  }
0x13: {  	s15 =	simm.s32 @!p0 $0x100;
	s16 =	ssub.s32 $0x2, s16;
	[sflag:s13] =	ssyncset.done @!p0 $0x0  }
0x14: {  	s18 =	sshrl.u32 s16, $0x1;
	s14 =	sadd.s32 $0x18800, s17;
	[sflag:s13] =	ssyncadd.s32 @!p0 $0xFFFFFF80  }
0x15: {  	[hbm4b:s14+s9] =	stream.linear.scatter @!p0 [tilespmem:s15], [sflag:$0x2], $0x80, $0x38;
	[tilespmem:$0x200] =	vst v63  }
0x16: {  	s18 =	ssub.s32 s16, s18;
	_ =	swait.ge @!p0 [sflag:s11], $0x80  }
0x17: {  	s19 =	smax.u32 s18, $0x1;
	[sflag:s11] =	ssyncset.done @!p0 $0x0  }
0x18: {  	s16 =	simm.s32 $0x1;
	s19 =	sadd.s32 $0xFFFFFFFF, s19;
	[sflag:s11] =	ssyncadd.s32 @!p0 $0xFFFFFF80  }
0x19: {  	s17 =	sadd.s32 $0x18A00, s17;
	p1 =	sne.s32 s19, $0x0;
	_ =	swait.ge [sflag:s16], $0x80  }
.Ltmp0:
0x1a: {  	s18 =	simm.s32 @!p0 $0x180;
	[sflag:s16] =	ssyncset.done $0x0;
	(pc) =	sbr.rel @!p1 .LBB2_2-.Ltmp0, $4  }
0x1b: {  	s17 =	smov.u32 @p0 s14;
	s18 =	simm.s32 @p0 $0x100;
	[sflag:s16] =	ssyncadd.s32 $0xFFFFFF80  }
0x1c: {  	[hbm4b:s17+s2] =	stream.linear.scatter [tilespmem:s18], [sflag:$0x2], $0x80, $0x38;
	[tilespmem:$0x200] =	vst v63  }
0x1d: {  	_ =	swait.ge [sflag:s3], $0x80  }
0x1e: {  	[sflag:s3] =	ssyncset.done $0x0  }
.LBB2_1:
0x1f: {  	s19 =	sadd.s32 $0xFFFFFFFF, s19;
	[sflag:s3] =	ssyncadd.s32 $0xFFFFFF80  }
0x20: {  	[tilespmem:s2], [sflag:$0x2] =	stream.linear.gather [hbm4b:s4+s2], $0x80, $0x38;
	[tilespmem:$0x200] =	vst v63  }
0x21: {  	p1 =	sne.s32 s19, $0x0;
	_ =	swait.ge [sflag:s3], $0x80  }
0x22: {  	[sflag:s3] =	ssyncset.done $0x0  }
0x23: {  	[sflag:s3] =	ssyncadd.s32 $0xFFFFFF80  }
0x24: {  	[tilespmem:s8], [sflag:$0x1] =	stream.indirect.gather [hbm4b:s5+s7], $0x1, s2, s7, $0xb8;
	[tilespmem:$0x200] =	vst v63  }
0x25: {  	_ = 	snop  }
0x26: {  	[tilespmem:s10], [sflag:$0x2] =	stream.linear.gather @!p0 [hbm4b:s6+s9], $0x80, $0x38;
	[tilespmem:$0x200] =	vst v63  }
0x27: {  	_ =	swait.ge @!p0 [sflag:s11], $0x80  }
0x28: {  	[sflag:s11] =	ssyncset.done @!p0 $0x0  }
0x29: {  	[sflag:s11] =	ssyncadd.s32 @!p0 $0xFFFFFF80  }
0x2a: {  	[tilespmem:s12], [sflag:$0x1] =	stream.indirect.gather @!p0 [hbm4b:s5+s10], $0x1, s10, s10, $0xb8;
	[tilespmem:$0x200] =	vst v63  }
0x2b: {  	_ =	swait.ge @!p0 [sflag:s13], $0x80  }
0x2c: {  	[sflag:s13] =	ssyncset.done @!p0 $0x0  }
0x2d: {  	[sflag:s13] =	ssyncadd.s32 @!p0 $0xFFFFFF80  }
0x2e: {  	[hbm4b:s14+s9] =	stream.linear.scatter @!p0 [tilespmem:s15], [sflag:$0x2], $0x80, $0x38;
	[tilespmem:$0x200] =	vst v63  }
0x2f: {  	_ =	swait.ge @!p0 [sflag:s11], $0x80  }
0x30: {  	[sflag:s11] =	ssyncset.done @!p0 $0x0  }
0x31: {  	[sflag:s11] =	ssyncadd.s32 @!p0 $0xFFFFFF80  }
0x32: {  	_ =	swait.ge [sflag:s16], $0x80  }
.Ltmp1:
0x33: {  	[sflag:s16] =	ssyncset.done $0x0;
	(pc) =	sbr.rel @p1 .LBB2_1-.Ltmp1, $4  }
0x34: {  	[sflag:s16] =	ssyncadd.s32 $0xFFFFFF80  }
0x35: {  	[hbm4b:s17+s2] =	stream.linear.scatter [tilespmem:s18], [sflag:$0x2], $0x80, $0x38;
	[tilespmem:$0x200] =	vst v63  }
0x36: {  	_ =	swait.ge [sflag:s3], $0x80  }
0x37: {  	[sflag:s3] =	ssyncset.done $0x0  }
.LBB2_2:
0x38: {  	[sflag:s3] =	ssyncadd.s32 $0xFFFFFF80  }
0x39: {  	_ =	sfence.sel $0x180000  }
0x3a: {  	[bflag:$0x0] =	sbarrier.arrive $0xFFFF  }
0x3b: {  	p0 =	sne.s32 s0, $0x0;
	_ =	strace $0x9000004A  }
0x3c: {  	s0 =	sadd.s32 @!p0 $0x100000, s1;
	[bflag:$0x2] =	sbarrier.arrive $0xFFFF  }
0x3d: {  	[sflag:s0] =	ssyncadd.tile.s32 @!p0 $0x1;
	_ =	shalt  }
.Lfunc_end2:
_tile_overlayer_lowered:
.L_overlay_start_2:
0x3e: {  	(tag) =	ssettag $0x2  }
0x3f: {  	s0 =	rddreg [dreg:$0x0];
	s2 =	stileid.u32  }
0x40: {  	s1 =	rddreg [dreg:$0x1];
	p0 =	sne.s32 s2, $0x0  }
0x41: {  	s3 =	rddreg [dreg:$0x2];
	[bflag:$0x3] =	sbarrier.arrive $0xFFFF;
	s2 =	simm.s32 @!p0 $0x1C02  }
0x42: {  	[timem:s3], [sflag:s2] =	dma.local @!p0 [hbm:s0], s1  }
0x43: {  	s0 =	simm.s32 @!p0 $0x2  }
0x44: {  	_ =	swait.ge @!p0 [sflag:s0], s1  }
0x45: {  	s1 =	ssub.s32 @!p0 $0x0, s1;
	[sflag:s0] =	ssyncset.done @!p0 $0x0  }
0x46: {  	[sflag:s0] =	ssyncadd.s32 @!p0 s1  }
0x47: {  	[bflag:$0x3] =	sbarrier.arrive $0xFFFF  }
0x48: {  	_ =	shalt  }

</sc_bundles>
